<compile_context>
chip_gen: v7x
topology: tpu7x:2x2x1
jax: 0.10.2.dev20260603
libtpu: 0.0.44.dev20260713+nightly
codegen_flags: <defaults>
</compile_context>

<pallas_src>
import jax
import jax.numpy as jnp
from jax import lax
from jax.experimental import pallas as pl
from jax.experimental.pallas import tpu as pltpu
from jax.experimental.pallas import tpu_sc as plsc

_RING = 8
_PRE = 4
_SPLIT = 128


def kernel(seq_types, type_emb_weight):
    B, T = seq_types.shape
    V, H = type_emb_weight.shape
    info = plsc.get_sparse_core_info()
    nw = info.num_cores * info.num_subcores
    rpw = B // nw
    assert B == nw * rpw and T > _SPLIT

    mesh = plsc.VectorSubcoreMesh(core_axis_name="c", subcore_axis_name="s")

    def body(idx_hbm, table_hbm, out_hbm, idx_v, *rest):
        rows = rest[:_RING]
        gsem = rest[_RING:2 * _RING]
        wsem = rest[2 * _RING:3 * _RING]
        wid = lax.axis_index("s") * info.num_cores + lax.axis_index("c")
        base = wid * rpw

        pltpu.sync_copy(idx_hbm.at[pl.ds(base, rpw)], idx_v)

        def start_gather(n, b):
            pltpu.async_copy(table_hbm.at[idx_v.at[n, pl.ds(0, _SPLIT)]],
                             rows[b].at[pl.ds(0, _SPLIT)], gsem[b])
            pltpu.async_copy(table_hbm.at[idx_v.at[n, pl.ds(_SPLIT,
                                                            T - _SPLIT)]],
                             rows[b].at[pl.ds(_SPLIT, T - _SPLIT)], gsem[b])

        def wait_gather(b):
            pltpu.make_async_copy(table_hbm.at[idx_v.at[0, pl.ds(0, _SPLIT)]],
                                  rows[b].at[pl.ds(0, _SPLIT)],
                                  gsem[b]).wait()
            pltpu.make_async_copy(
                table_hbm.at[idx_v.at[0, pl.ds(_SPLIT, T - _SPLIT)]],
                rows[b].at[pl.ds(_SPLIT, T - _SPLIT)], gsem[b]).wait()

        def start_write(n, b):
            pltpu.async_copy(rows[b], out_hbm.at[base + n], wsem[b])

        def wait_write(b):
            pltpu.make_async_copy(rows[b], out_hbm.at[base], wsem[b]).wait()

        for b in range(_PRE):
            start_gather(b, b)

        def visit(n, b):
            wait_gather(b)
            start_write(n, b)
            nxt = n + _PRE
            bn = (b + _PRE) % _RING

            @pl.when(nxt < rpw)
            def _():
                @pl.when(nxt >= _RING)
                def _():
                    wait_write(bn)
                start_gather(nxt, bn)

        def outer(g, carry):
            for b in range(_RING):
                visit(g * _RING + b, b)
            return carry

        lax.fori_loop(0, rpw // _RING, outer, 0, unroll=False)
        tail = rpw % _RING
        for b in range(tail):
            visit((rpw // _RING) * _RING + b, b)

        for b in range(min(_RING, rpw)):
            wait_write(b)

    run = pl.kernel(
        body,
        out_type=jax.ShapeDtypeStruct((B, T, H), jnp.float32),
        mesh=mesh,
        compiler_params=pltpu.CompilerParams(use_tc_tiling_on_sc=False),
        scratch_types=(
            [pltpu.VMEM((rpw, T), jnp.int32)]
            + [pltpu.VMEM((T, H), jnp.float32) for _ in range(_RING)]
            + [pltpu.SemaphoreType.DMA for _ in range(2 * _RING)]
        ),
    )
    return run(seq_types, type_emb_weight)

# --- scband reference (transcript-rebuilt; emitter-appended) ---
"""Pipeline reference for scband-type-embedding-20151986552863 (READ-ONLY COPY).

The authoritative reference and input builder live on the scoring server;
editing this copy changes nothing except your own understanding.
"""

import jax, jax.numpy as jnp
import numpy as np

TYPE_DIM = 100000
H_DIM = 64
BATCH = 4096
HIST = 200

def setup_inputs(seed: int = 0) -> dict:
    key = jax.random.key(seed)
    k_idx, k_tab = jax.random.split(key)
    # seq_types values in [0, TYPE_DIM); padding_idx == TYPE_DIM never sampled
    seq_types = jax.random.randint(k_idx, (BATCH, HIST), 0, TYPE_DIM, dtype=jnp.int32)
    # Embedding table with (TYPE_DIM + 1) rows; padding row (index TYPE_DIM) zeroed,
    # matching torch nn.Embedding(padding_idx=type_dim) initialization.
    table = jax.random.normal(k_tab, (TYPE_DIM + 1, H_DIM), dtype=jnp.float32)
    table = table.at[TYPE_DIM].set(0.0)
    return {"seq_types": seq_types, "type_emb_weight": table}

def reference(seq_types, type_emb_weight):
    # nn.Embedding forward == row gather from the table
    type_emb = jnp.take(type_emb_weight, seq_types, axis=0)
    return type_emb

if __name__ == "__main__":
    import jax
    _d = setup_inputs()
    print(jax.jit(kernel)(*tuple(_d.values())))

</pallas_src>

<mosaic_0001>
#map = affine_map<(d0, d1) -> (0, 0)>
#map1 = affine_map<(d0, d1) -> (0, 0, 0)>
module attributes {stable_mosaic.version = 14 : i64} {
  func.func @body(%arg0: i32, %arg1: i32, %arg2: memref<4096x200xi32, #tpu.memory_space<hbm>>, %arg3: memref<100001x64xf32, #tpu.memory_space<hbm>>, %arg4: memref<4096x200x64xf32, #tpu.memory_space<hbm>>, %arg5: memref<128x200xi32, #tpu.memory_space<vmem>>, %arg6: memref<200x64xf32, #tpu.memory_space<vmem>>, %arg7: memref<200x64xf32, #tpu.memory_space<vmem>>, %arg8: memref<200x64xf32, #tpu.memory_space<vmem>>, %arg9: memref<200x64xf32, #tpu.memory_space<vmem>>, %arg10: memref<200x64xf32, #tpu.memory_space<vmem>>, %arg11: memref<200x64xf32, #tpu.memory_space<vmem>>, %arg12: memref<200x64xf32, #tpu.memory_space<vmem>>, %arg13: memref<200x64xf32, #tpu.memory_space<vmem>>, %arg14: memref<!tpu.dma_semaphore, #tpu.memory_space<semaphore_mem>>, %arg15: memref<!tpu.dma_semaphore, #tpu.memory_space<semaphore_mem>>, %arg16: memref<!tpu.dma_semaphore, #tpu.memory_space<semaphore_mem>>, %arg17: memref<!tpu.dma_semaphore, #tpu.memory_space<semaphore_mem>>, %arg18: memref<!tpu.dma_semaphore, #tpu.memory_space<semaphore_mem>>, %arg19: memref<!tpu.dma_semaphore, #tpu.memory_space<semaphore_mem>>, %arg20: memref<!tpu.dma_semaphore, #tpu.memory_space<semaphore_mem>>, %arg21: memref<!tpu.dma_semaphore, #tpu.memory_space<semaphore_mem>>, %arg22: memref<!tpu.dma_semaphore, #tpu.memory_space<semaphore_mem>>, %arg23: memref<!tpu.dma_semaphore, #tpu.memory_space<semaphore_mem>>, %arg24: memref<!tpu.dma_semaphore, #tpu.memory_space<semaphore_mem>>, %arg25: memref<!tpu.dma_semaphore, #tpu.memory_space<semaphore_mem>>, %arg26: memref<!tpu.dma_semaphore, #tpu.memory_space<semaphore_mem>>, %arg27: memref<!tpu.dma_semaphore, #tpu.memory_space<semaphore_mem>>, %arg28: memref<!tpu.dma_semaphore, #tpu.memory_space<semaphore_mem>>, %arg29: memref<!tpu.dma_semaphore, #tpu.memory_space<semaphore_mem>>) attributes {dimension_semantics = [#tpu.dimension_semantics<core_parallel>, #tpu.dimension_semantics<subcore_parallel>], iteration_bounds = array<i64: 2, 16>, scalar_prefetch = 0 : i64, scratch_operands = 25 : i64, tpu.core_type = #tpu.core_type<sc_vector_subcore>, window_params = [{transform_indices = #map}, {transform_indices = #map}, {transform_indices = #map1}]} {
    %mul3A = arith.constant 2 : i32
    %mul3A_0 = arith.muli %arg1, %mul3A : i32
    %add3A = arith.addi %mul3A_0, %arg0 : i32
    %mul3A_1 = arith.constant 128 : i32
    %mul3A_2 = arith.muli %add3A, %mul3A_1 : i32
    "tpu.region"() ({
      %run_scoped3A = tpu.sem_alloc : memref<!tpu.dma_semaphore, #tpu.memory_space<semaphore_mem>>
      %dma_start3A_150 = arith.constant 0 : i32
      %dma_start3A_151 = tpu.memref_slice %arg2[%mul3A_2, %dma_start3A_150] : memref<4096x200xi32, #tpu.memory_space<hbm>> -> memref<128x200xi32, #tpu.memory_space<hbm>>
      %dma_start3A_152 = arith.constant 0 : i32
      %dma_start3A_153 = tpu.memref_slice %arg2[%mul3A_2, %dma_start3A_152] : memref<4096x200xi32, #tpu.memory_space<hbm>> -> memref<128x200xi32, #tpu.memory_space<hbm>>
      tpu.enqueue_dma source(%dma_start3A_153 : memref<128x200xi32, #tpu.memory_space<hbm>>) target(%arg5 : memref<128x200xi32, #tpu.memory_space<vmem>>) target_semaphore(%run_scoped3A : memref<!tpu.dma_semaphore, #tpu.memory_space<semaphore_mem>>)
      %dma_wait3A_154 = arith.constant 0 : i32
      %dma_wait3A_155 = tpu.memref_slice %arg2[%mul3A_2, %dma_wait3A_154] : memref<4096x200xi32, #tpu.memory_space<hbm>> -> memref<128x200xi32, #tpu.memory_space<hbm>>
      %dma_wait3A_156 = arith.constant 0 : i32
      %dma_wait3A_157 = tpu.memref_slice %arg2[%mul3A_2, %dma_wait3A_156] : memref<4096x200xi32, #tpu.memory_space<hbm>> -> memref<128x200xi32, #tpu.memory_space<hbm>>
      tpu.wait_dma2 semaphore(%run_scoped3A : memref<!tpu.dma_semaphore, #tpu.memory_space<semaphore_mem>>) src(%dma_wait3A_157 : memref<128x200xi32, #tpu.memory_space<hbm>>) dst(%arg5 : memref<128x200xi32, #tpu.memory_space<vmem>>)
      tpu.yield
    }) : () -> ()
    %dma_start3A = arith.constant 0 : i32
    %dma_start3A_3 = arith.constant 0 : i32
    %dma_start3A_4 = arith.constant 0 : i32
    %dma_start3A_5 = tpu.memref_slice %arg6[%dma_start3A_3, %dma_start3A_4] : memref<200x64xf32, #tpu.memory_space<vmem>> -> memref<128x64xf32, #tpu.memory_space<vmem>>
    %dma_start3A_6 = arith.constant 0 : i32
    %dma_start3A_7 = tpu.memref_slice %arg5[%dma_start3A, %dma_start3A_6] : memref<128x200xi32, #tpu.memory_space<vmem>> -> memref<1x128xi32, #tpu.memory_space<vmem>>
    %dma_start3A_8 = tpu.memref_squeeze %dma_start3A_7 : memref<1x128xi32, #tpu.memory_space<vmem>> -> memref<128xi32, #tpu.memory_space<vmem>>
    %dma_start3A_9 = arith.constant 0 : i32
    %dma_start3A_10 = arith.constant 0 : i32
    %dma_start3A_11 = tpu.memref_slice %arg3[%dma_start3A_9, %dma_start3A_10] : memref<100001x64xf32, #tpu.memory_space<hbm>> -> memref<100001x64xf32, #tpu.memory_space<hbm>>
    tpu.enqueue_indirect_dma source(%dma_start3A_11 : memref<100001x64xf32, #tpu.memory_space<hbm>>) target(%dma_start3A_5 : memref<128x64xf32, #tpu.memory_space<vmem>>) offsets(%dma_start3A_8 : memref<128xi32, #tpu.memory_space<vmem>>) semaphore(%arg14 : memref<!tpu.dma_semaphore, #tpu.memory_space<semaphore_mem>>)
    %dma_start3A_12 = arith.constant 0 : i32
    %dma_start3A_13 = arith.constant 128 : i32
    %dma_start3A_14 = arith.constant 0 : i32
    %dma_start3A_15 = tpu.memref_slice %arg6[%dma_start3A_13, %dma_start3A_14] : memref<200x64xf32, #tpu.memory_space<vmem>> -> memref<72x64xf32, #tpu.memory_space<vmem>>
    %dma_start3A_16 = arith.constant 128 : i32
    %dma_start3A_17 = tpu.memref_slice %arg5[%dma_start3A_12, %dma_start3A_16] : memref<128x200xi32, #tpu.memory_space<vmem>> -> memref<1x72xi32, #tpu.memory_space<vmem>>
    %dma_start3A_18 = tpu.memref_squeeze %dma_start3A_17 : memref<1x72xi32, #tpu.memory_space<vmem>> -> memref<72xi32, #tpu.memory_space<vmem>>
    %dma_start3A_19 = arith.constant 0 : i32
    %dma_start3A_20 = arith.constant 0 : i32
    %dma_start3A_21 = tpu.memref_slice %arg3[%dma_start3A_19, %dma_start3A_20] : memref<100001x64xf32, #tpu.memory_space<hbm>> -> memref<100001x64xf32, #tpu.memory_space<hbm>>
    tpu.enqueue_indirect_dma source(%dma_start3A_21 : memref<100001x64xf32, #tpu.memory_space<hbm>>) target(%dma_start3A_15 : memref<72x64xf32, #tpu.memory_space<vmem>>) offsets(%dma_start3A_18 : memref<72xi32, #tpu.memory_space<vmem>>) semaphore(%arg14 : memref<!tpu.dma_semaphore, #tpu.memory_space<semaphore_mem>>)
    %dma_start3A_22 = arith.constant 1 : i32
    %dma_start3A_23 = arith.constant 0 : i32
    %dma_start3A_24 = arith.constant 0 : i32
    %dma_start3A_25 = tpu.memref_slice %arg7[%dma_start3A_23, %dma_start3A_24] : memref<200x64xf32, #tpu.memory_space<vmem>> -> memref<128x64xf32, #tpu.memory_space<vmem>>
    %dma_start3A_26 = arith.constant 0 : i32
    %dma_start3A_27 = tpu.memref_slice %arg5[%dma_start3A_22, %dma_start3A_26] : memref<128x200xi32, #tpu.memory_space<vmem>> -> memref<1x128xi32, #tpu.memory_space<vmem>>
    %dma_start3A_28 = tpu.memref_squeeze %dma_start3A_27 : memref<1x128xi32, #tpu.memory_space<vmem>> -> memref<128xi32, #tpu.memory_space<vmem>>
    %dma_start3A_29 = arith.constant 0 : i32
    %dma_start3A_30 = arith.constant 0 : i32
    %dma_start3A_31 = tpu.memref_slice %arg3[%dma_start3A_29, %dma_start3A_30] : memref<100001x64xf32, #tpu.memory_space<hbm>> -> memref<100001x64xf32, #tpu.memory_space<hbm>>
    tpu.enqueue_indirect_dma source(%dma_start3A_31 : memref<100001x64xf32, #tpu.memory_space<hbm>>) target(%dma_start3A_25 : memref<128x64xf32, #tpu.memory_space<vmem>>) offsets(%dma_start3A_28 : memref<128xi32, #tpu.memory_space<vmem>>) semaphore(%arg15 : memref<!tpu.dma_semaphore, #tpu.memory_space<semaphore_mem>>)
    %dma_start3A_32 = arith.constant 1 : i32
    %dma_start3A_33 = arith.constant 128 : i32
    %dma_start3A_34 = arith.constant 0 : i32
    %dma_start3A_35 = tpu.memref_slice %arg7[%dma_start3A_33, %dma_start3A_34] : memref<200x64xf32, #tpu.memory_space<vmem>> -> memref<72x64xf32, #tpu.memory_space<vmem>>
    %dma_start3A_36 = arith.constant 128 : i32
    %dma_start3A_37 = tpu.memref_slice %arg5[%dma_start3A_32, %dma_start3A_36] : memref<128x200xi32, #tpu.memory_space<vmem>> -> memref<1x72xi32, #tpu.memory_space<vmem>>
    %dma_start3A_38 = tpu.memref_squeeze %dma_start3A_37 : memref<1x72xi32, #tpu.memory_space<vmem>> -> memref<72xi32, #tpu.memory_space<vmem>>
    %dma_start3A_39 = arith.constant 0 : i32
    %dma_start3A_40 = arith.constant 0 : i32
    %dma_start3A_41 = tpu.memref_slice %arg3[%dma_start3A_39, %dma_start3A_40] : memref<100001x64xf32, #tpu.memory_space<hbm>> -> memref<100001x64xf32, #tpu.memory_space<hbm>>
    tpu.enqueue_indirect_dma source(%dma_start3A_41 : memref<100001x64xf32, #tpu.memory_space<hbm>>) target(%dma_start3A_35 : memref<72x64xf32, #tpu.memory_space<vmem>>) offsets(%dma_start3A_38 : memref<72xi32, #tpu.memory_space<vmem>>) semaphore(%arg15 : memref<!tpu.dma_semaphore, #tpu.memory_space<semaphore_mem>>)
    %dma_start3A_42 = arith.constant 2 : i32
    %dma_start3A_43 = arith.constant 0 : i32
    %dma_start3A_44 = arith.constant 0 : i32
    %dma_start3A_45 = tpu.memref_slice %arg8[%dma_start3A_43, %dma_start3A_44] : memref<200x64xf32, #tpu.memory_space<vmem>> -> memref<128x64xf32, #tpu.memory_space<vmem>>
    %dma_start3A_46 = arith.constant 0 : i32
    %dma_start3A_47 = tpu.memref_slice %arg5[%dma_start3A_42, %dma_start3A_46] : memref<128x200xi32, #tpu.memory_space<vmem>> -> memref<1x128xi32, #tpu.memory_space<vmem>>
    %dma_start3A_48 = tpu.memref_squeeze %dma_start3A_47 : memref<1x128xi32, #tpu.memory_space<vmem>> -> memref<128xi32, #tpu.memory_space<vmem>>
    %dma_start3A_49 = arith.constant 0 : i32
    %dma_start3A_50 = arith.constant 0 : i32
    %dma_start3A_51 = tpu.memref_slice %arg3[%dma_start3A_49, %dma_start3A_50] : memref<100001x64xf32, #tpu.memory_space<hbm>> -> memref<100001x64xf32, #tpu.memory_space<hbm>>
    tpu.enqueue_indirect_dma source(%dma_start3A_51 : memref<100001x64xf32, #tpu.memory_space<hbm>>) target(%dma_start3A_45 : memref<128x64xf32, #tpu.memory_space<vmem>>) offsets(%dma_start3A_48 : memref<128xi32, #tpu.memory_space<vmem>>) semaphore(%arg16 : memref<!tpu.dma_semaphore, #tpu.memory_space<semaphore_mem>>)
    %dma_start3A_52 = arith.constant 2 : i32
    %dma_start3A_53 = arith.constant 128 : i32
    %dma_start3A_54 = arith.constant 0 : i32
    %dma_start3A_55 = tpu.memref_slice %arg8[%dma_start3A_53, %dma_start3A_54] : memref<200x64xf32, #tpu.memory_space<vmem>> -> memref<72x64xf32, #tpu.memory_space<vmem>>
    %dma_start3A_56 = arith.constant 128 : i32
    %dma_start3A_57 = tpu.memref_slice %arg5[%dma_start3A_52, %dma_start3A_56] : memref<128x200xi32, #tpu.memory_space<vmem>> -> memref<1x72xi32, #tpu.memory_space<vmem>>
    %dma_start3A_58 = tpu.memref_squeeze %dma_start3A_57 : memref<1x72xi32, #tpu.memory_space<vmem>> -> memref<72xi32, #tpu.memory_space<vmem>>
    %dma_start3A_59 = arith.constant 0 : i32
    %dma_start3A_60 = arith.constant 0 : i32
    %dma_start3A_61 = tpu.memref_slice %arg3[%dma_start3A_59, %dma_start3A_60] : memref<100001x64xf32, #tpu.memory_space<hbm>> -> memref<100001x64xf32, #tpu.memory_space<hbm>>
    tpu.enqueue_indirect_dma source(%dma_start3A_61 : memref<100001x64xf32, #tpu.memory_space<hbm>>) target(%dma_start3A_55 : memref<72x64xf32, #tpu.memory_space<vmem>>) offsets(%dma_start3A_58 : memref<72xi32, #tpu.memory_space<vmem>>) semaphore(%arg16 : memref<!tpu.dma_semaphore, #tpu.memory_space<semaphore_mem>>)
    %dma_start3A_62 = arith.constant 3 : i32
    %dma_start3A_63 = arith.constant 0 : i32
    %dma_start3A_64 = arith.constant 0 : i32
    %dma_start3A_65 = tpu.memref_slice %arg9[%dma_start3A_63, %dma_start3A_64] : memref<200x64xf32, #tpu.memory_space<vmem>> -> memref<128x64xf32, #tpu.memory_space<vmem>>
    %dma_start3A_66 = arith.constant 0 : i32
    %dma_start3A_67 = tpu.memref_slice %arg5[%dma_start3A_62, %dma_start3A_66] : memref<128x200xi32, #tpu.memory_space<vmem>> -> memref<1x128xi32, #tpu.memory_space<vmem>>
    %dma_start3A_68 = tpu.memref_squeeze %dma_start3A_67 : memref<1x128xi32, #tpu.memory_space<vmem>> -> memref<128xi32, #tpu.memory_space<vmem>>
    %dma_start3A_69 = arith.constant 0 : i32
    %dma_start3A_70 = arith.constant 0 : i32
    %dma_start3A_71 = tpu.memref_slice %arg3[%dma_start3A_69, %dma_start3A_70] : memref<100001x64xf32, #tpu.memory_space<hbm>> -> memref<100001x64xf32, #tpu.memory_space<hbm>>
    tpu.enqueue_indirect_dma source(%dma_start3A_71 : memref<100001x64xf32, #tpu.memory_space<hbm>>) target(%dma_start3A_65 : memref<128x64xf32, #tpu.memory_space<vmem>>) offsets(%dma_start3A_68 : memref<128xi32, #tpu.memory_space<vmem>>) semaphore(%arg17 : memref<!tpu.dma_semaphore, #tpu.memory_space<semaphore_mem>>)
    %dma_start3A_72 = arith.constant 3 : i32
    %dma_start3A_73 = arith.constant 128 : i32
    %dma_start3A_74 = arith.constant 0 : i32
    %dma_start3A_75 = tpu.memref_slice %arg9[%dma_start3A_73, %dma_start3A_74] : memref<200x64xf32, #tpu.memory_space<vmem>> -> memref<72x64xf32, #tpu.memory_space<vmem>>
    %dma_start3A_76 = arith.constant 128 : i32
    %dma_start3A_77 = tpu.memref_slice %arg5[%dma_start3A_72, %dma_start3A_76] : memref<128x200xi32, #tpu.memory_space<vmem>> -> memref<1x72xi32, #tpu.memory_space<vmem>>
    %dma_start3A_78 = tpu.memref_squeeze %dma_start3A_77 : memref<1x72xi32, #tpu.memory_space<vmem>> -> memref<72xi32, #tpu.memory_space<vmem>>
    %dma_start3A_79 = arith.constant 0 : i32
    %dma_start3A_80 = arith.constant 0 : i32
    %dma_start3A_81 = tpu.memref_slice %arg3[%dma_start3A_79, %dma_start3A_80] : memref<100001x64xf32, #tpu.memory_space<hbm>> -> memref<100001x64xf32, #tpu.memory_space<hbm>>
    tpu.enqueue_indirect_dma source(%dma_start3A_81 : memref<100001x64xf32, #tpu.memory_space<hbm>>) target(%dma_start3A_75 : memref<72x64xf32, #tpu.memory_space<vmem>>) offsets(%dma_start3A_78 : memref<72xi32, #tpu.memory_space<vmem>>) semaphore(%arg17 : memref<!tpu.dma_semaphore, #tpu.memory_space<semaphore_mem>>)
    %scan3A = arith.constant 0 : i32
    %scan3A_82 = arith.constant 0 : i32
    %scan3A_83 = arith.constant 16 : i32
    %scan3A_84 = arith.addi %scan3A_82, %scan3A_83 : i32
    %scan3A_85 = arith.constant 1 : i32
    scf.for %scan3A_150 = %scan3A_82 to %scan3A_84 step %scan3A_85  : i32 {
      %mul3A_151 = arith.constant 8 : i32
      %mul3A_152 = arith.muli %scan3A_150, %mul3A_151 : i32
      %add3A_153 = arith.constant 0 : i32
      %add3A_154 = arith.addi %mul3A_152, %add3A_153 : i32
      %dma_wait3A_155 = arith.constant 0 : i32
      %dma_wait3A_156 = arith.constant 0 : i32
      %dma_wait3A_157 = arith.constant 0 : i32
      %dma_wait3A_158 = tpu.memref_slice %arg6[%dma_wait3A_156, %dma_wait3A_157] : memref<200x64xf32, #tpu.memory_space<vmem>> -> memref<128x64xf32, #tpu.memory_space<vmem>>
      %dma_wait3A_159 = arith.constant 0 : i32
      %dma_wait3A_160 = tpu.memref_slice %arg5[%dma_wait3A_155, %dma_wait3A_159] : memref<128x200xi32, #tpu.memory_space<vmem>> -> memref<1x128xi32, #tpu.memory_space<vmem>>
      %dma_wait3A_161 = tpu.memref_squeeze %dma_wait3A_160 : memref<1x128xi32, #tpu.memory_space<vmem>> -> memref<128xi32, #tpu.memory_space<vmem>>
      %dma_wait3A_162 = arith.constant 0 : i32
      %dma_wait3A_163 = arith.constant 0 : i32
      %dma_wait3A_164 = tpu.memref_slice %arg3[%dma_wait3A_162, %dma_wait3A_163] : memref<100001x64xf32, #tpu.memory_space<hbm>> -> memref<100001x64xf32, #tpu.memory_space<hbm>>
      tpu.wait_indirect_dma semaphore(%arg14 : memref<!tpu.dma_semaphore, #tpu.memory_space<semaphore_mem>>) src(%dma_wait3A_164 : memref<100001x64xf32, #tpu.memory_space<hbm>>) dst(%dma_wait3A_158 : memref<128x64xf32, #tpu.memory_space<vmem>>)
      %dma_wait3A_165 = arith.constant 0 : i32
      %dma_wait3A_166 = arith.constant 128 : i32
      %dma_wait3A_167 = arith.constant 0 : i32
      %dma_wait3A_168 = tpu.memref_slice %arg6[%dma_wait3A_166, %dma_wait3A_167] : memref<200x64xf32, #tpu.memory_space<vmem>> -> memref<72x64xf32, #tpu.memory_space<vmem>>
      %dma_wait3A_169 = arith.constant 128 : i32
      %dma_wait3A_170 = tpu.memref_slice %arg5[%dma_wait3A_165, %dma_wait3A_169] : memref<128x200xi32, #tpu.memory_space<vmem>> -> memref<1x72xi32, #tpu.memory_space<vmem>>
      %dma_wait3A_171 = tpu.memref_squeeze %dma_wait3A_170 : memref<1x72xi32, #tpu.memory_space<vmem>> -> memref<72xi32, #tpu.memory_space<vmem>>
      %dma_wait3A_172 = arith.constant 0 : i32
      %dma_wait3A_173 = arith.constant 0 : i32
      %dma_wait3A_174 = tpu.memref_slice %arg3[%dma_wait3A_172, %dma_wait3A_173] : memref<100001x64xf32, #tpu.memory_space<hbm>> -> memref<100001x64xf32, #tpu.memory_space<hbm>>
      tpu.wait_indirect_dma semaphore(%arg14 : memref<!tpu.dma_semaphore, #tpu.memory_space<semaphore_mem>>) src(%dma_wait3A_174 : memref<100001x64xf32, #tpu.memory_space<hbm>>) dst(%dma_wait3A_168 : memref<72x64xf32, #tpu.memory_space<vmem>>)
      %add3A_175 = arith.addi %mul3A_2, %add3A_154 : i32
      %dma_start3A_176 = arith.constant 0 : i32
      %dma_start3A_177 = arith.constant 0 : i32
      %dma_start3A_178 = tpu.memref_slice %arg4[%add3A_175, %dma_start3A_176, %dma_start3A_177] : memref<4096x200x64xf32, #tpu.memory_space<hbm>> -> memref<1x200x64xf32, #tpu.memory_space<hbm>>
      %dma_start3A_179 = tpu.memref_squeeze %dma_start3A_178 : memref<1x200x64xf32, #tpu.memory_space<hbm>> -> memref<200x64xf32, #tpu.memory_space<hbm>>
      %dma_start3A_180 = arith.constant 0 : i32
      %dma_start3A_181 = arith.constant 0 : i32
      %dma_start3A_182 = tpu.memref_slice %arg4[%add3A_175, %dma_start3A_180, %dma_start3A_181] : memref<4096x200x64xf32, #tpu.memory_space<hbm>> -> memref<1x200x64xf32, #tpu.memory_space<hbm>>
      %dma_start3A_183 = tpu.memref_squeeze %dma_start3A_182 : memref<1x200x64xf32, #tpu.memory_space<hbm>> -> memref<200x64xf32, #tpu.memory_space<hbm>>
      tpu.enqueue_dma source(%arg6 : memref<200x64xf32, #tpu.memory_space<vmem>>) target(%dma_start3A_183 : memref<200x64xf32, #tpu.memory_space<hbm>>) target_semaphore(%arg22 : memref<!tpu.dma_semaphore, #tpu.memory_space<semaphore_mem>>)
      %add3A_184 = arith.constant 4 : i32
      %add3A_185 = arith.addi %add3A_154, %add3A_184 : i32
      %lt3A = arith.constant 128 : i32
      %lt3A_186 = arith.cmpi slt, %add3A_185, %lt3A : i32
      %convert_element_type3A = arith.extui %lt3A_186 : i1 to i32
      %cond3A = arith.constant 0 : i32
      %cond3A_187 = arith.cmpi ne, %convert_element_type3A, %cond3A : i32
      scf.if %cond3A_187 {
        %ge3A = arith.constant 8 : i32
        %ge3A_468 = arith.cmpi sge, %add3A_185, %ge3A : i32
        %convert_element_type3A_469 = arith.extui %ge3A_468 : i1 to i32
        %cond3A_470 = arith.constant 0 : i32
        %cond3A_471 = arith.cmpi ne, %convert_element_type3A_469, %cond3A_470 : i32
        scf.if %cond3A_471 {
          %dma_wait3A_490 = arith.constant 0 : i32
          %dma_wait3A_491 = arith.constant 0 : i32
          %dma_wait3A_492 = tpu.memref_slice %arg4[%mul3A_2, %dma_wait3A_490, %dma_wait3A_491] : memref<4096x200x64xf32, #tpu.memory_space<hbm>> -> memref<1x200x64xf32, #tpu.memory_space<hbm>>
          %dma_wait3A_493 = tpu.memref_squeeze %dma_wait3A_492 : memref<1x200x64xf32, #tpu.memory_space<hbm>> -> memref<200x64xf32, #tpu.memory_space<hbm>>
          %dma_wait3A_494 = arith.constant 0 : i32
          %dma_wait3A_495 = arith.constant 0 : i32
          %dma_wait3A_496 = tpu.memref_slice %arg4[%mul3A_2, %dma_wait3A_494, %dma_wait3A_495] : memref<4096x200x64xf32, #tpu.memory_space<hbm>> -> memref<1x200x64xf32, #tpu.memory_space<hbm>>
          %dma_wait3A_497 = tpu.memref_squeeze %dma_wait3A_496 : memref<1x200x64xf32, #tpu.memory_space<hbm>> -> memref<200x64xf32, #tpu.memory_space<hbm>>
          tpu.wait_dma2 semaphore(%arg26 : memref<!tpu.dma_semaphore, #tpu.memory_space<semaphore_mem>>) src(%arg10 : memref<200x64xf32, #tpu.memory_space<vmem>>) dst(%dma_wait3A_497 : memref<200x64xf32, #tpu.memory_space<hbm>>)
        } else {
        }
        %dma_start3A_472 = arith.constant 0 : i32
        %dma_start3A_473 = arith.constant 0 : i32
        %dma_start3A_474 = tpu.memref_slice %arg10[%dma_start3A_472, %dma_start3A_473] : memref<200x64xf32, #tpu.memory_space<vmem>> -> memref<128x64xf32, #tpu.memory_space<vmem>>
        %dma_start3A_475 = arith.constant 0 : i32
        %dma_start3A_476 = tpu.memref_slice %arg5[%add3A_185, %dma_start3A_475] : memref<128x200xi32, #tpu.memory_space<vmem>> -> memref<1x128xi32, #tpu.memory_space<vmem>>
        %dma_start3A_477 = tpu.memref_squeeze %dma_start3A_476 : memref<1x128xi32, #tpu.memory_space<vmem>> -> memref<128xi32, #tpu.memory_space<vmem>>
        %dma_start3A_478 = arith.constant 0 : i32
        %dma_start3A_479 = arith.constant 0 : i32
        %dma_start3A_480 = tpu.memref_slice %arg3[%dma_start3A_478, %dma_start3A_479] : memref<100001x64xf32, #tpu.memory_space<hbm>> -> memref<100001x64xf32, #tpu.memory_space<hbm>>
        tpu.enqueue_indirect_dma source(%dma_start3A_480 : memref<100001x64xf32, #tpu.memory_space<hbm>>) target(%dma_start3A_474 : memref<128x64xf32, #tpu.memory_space<vmem>>) offsets(%dma_start3A_477 : memref<128xi32, #tpu.memory_space<vmem>>) semaphore(%arg18 : memref<!tpu.dma_semaphore, #tpu.memory_space<semaphore_mem>>)
        %dma_start3A_481 = arith.constant 128 : i32
        %dma_start3A_482 = arith.constant 0 : i32
        %dma_start3A_483 = tpu.memref_slice %arg10[%dma_start3A_481, %dma_start3A_482] : memref<200x64xf32, #tpu.memory_space<vmem>> -> memref<72x64xf32, #tpu.memory_space<vmem>>
        %dma_start3A_484 = arith.constant 128 : i32
        %dma_start3A_485 = tpu.memref_slice %arg5[%add3A_185, %dma_start3A_484] : memref<128x200xi32, #tpu.memory_space<vmem>> -> memref<1x72xi32, #tpu.memory_space<vmem>>
        %dma_start3A_486 = tpu.memref_squeeze %dma_start3A_485 : memref<1x72xi32, #tpu.memory_space<vmem>> -> memref<72xi32, #tpu.memory_space<vmem>>
        %dma_start3A_487 = arith.constant 0 : i32
        %dma_start3A_488 = arith.constant 0 : i32
        %dma_start3A_489 = tpu.memref_slice %arg3[%dma_start3A_487, %dma_start3A_488] : memref<100001x64xf32, #tpu.memory_space<hbm>> -> memref<100001x64xf32, #tpu.memory_space<hbm>>
        tpu.enqueue_indirect_dma source(%dma_start3A_489 : memref<100001x64xf32, #tpu.memory_space<hbm>>) target(%dma_start3A_483 : memref<72x64xf32, #tpu.memory_space<vmem>>) offsets(%dma_start3A_486 : memref<72xi32, #tpu.memory_space<vmem>>) semaphore(%arg18 : memref<!tpu.dma_semaphore, #tpu.memory_space<semaphore_mem>>)
      } else {
      }
      %mul3A_188 = arith.constant 8 : i32
      %mul3A_189 = arith.muli %scan3A_150, %mul3A_188 : i32
      %add3A_190 = arith.constant 1 : i32
      %add3A_191 = arith.addi %mul3A_189, %add3A_190 : i32
      %dma_wait3A_192 = arith.constant 0 : i32
      %dma_wait3A_193 = arith.constant 0 : i32
      %dma_wait3A_194 = arith.constant 0 : i32
      %dma_wait3A_195 = tpu.memref_slice %arg7[%dma_wait3A_193, %dma_wait3A_194] : memref<200x64xf32, #tpu.memory_space<vmem>> -> memref<128x64xf32, #tpu.memory_space<vmem>>
      %dma_wait3A_196 = arith.constant 0 : i32
      %dma_wait3A_197 = tpu.memref_slice %arg5[%dma_wait3A_192, %dma_wait3A_196] : memref<128x200xi32, #tpu.memory_space<vmem>> -> memref<1x128xi32, #tpu.memory_space<vmem>>
      %dma_wait3A_198 = tpu.memref_squeeze %dma_wait3A_197 : memref<1x128xi32, #tpu.memory_space<vmem>> -> memref<128xi32, #tpu.memory_space<vmem>>
      %dma_wait3A_199 = arith.constant 0 : i32
      %dma_wait3A_200 = arith.constant 0 : i32
      %dma_wait3A_201 = tpu.memref_slice %arg3[%dma_wait3A_199, %dma_wait3A_200] : memref<100001x64xf32, #tpu.memory_space<hbm>> -> memref<100001x64xf32, #tpu.memory_space<hbm>>
      tpu.wait_indirect_dma semaphore(%arg15 : memref<!tpu.dma_semaphore, #tpu.memory_space<semaphore_mem>>) src(%dma_wait3A_201 : memref<100001x64xf32, #tpu.memory_space<hbm>>) dst(%dma_wait3A_195 : memref<128x64xf32, #tpu.memory_space<vmem>>)
      %dma_wait3A_202 = arith.constant 0 : i32
      %dma_wait3A_203 = arith.constant 128 : i32
      %dma_wait3A_204 = arith.constant 0 : i32
      %dma_wait3A_205 = tpu.memref_slice %arg7[%dma_wait3A_203, %dma_wait3A_204] : memref<200x64xf32, #tpu.memory_space<vmem>> -> memref<72x64xf32, #tpu.memory_space<vmem>>
      %dma_wait3A_206 = arith.constant 128 : i32
      %dma_wait3A_207 = tpu.memref_slice %arg5[%dma_wait3A_202, %dma_wait3A_206] : memref<128x200xi32, #tpu.memory_space<vmem>> -> memref<1x72xi32, #tpu.memory_space<vmem>>
      %dma_wait3A_208 = tpu.memref_squeeze %dma_wait3A_207 : memref<1x72xi32, #tpu.memory_space<vmem>> -> memref<72xi32, #tpu.memory_space<vmem>>
      %dma_wait3A_209 = arith.constant 0 : i32
      %dma_wait3A_210 = arith.constant 0 : i32
      %dma_wait3A_211 = tpu.memref_slice %arg3[%dma_wait3A_209, %dma_wait3A_210] : memref<100001x64xf32, #tpu.memory_space<hbm>> -> memref<100001x64xf32, #tpu.memory_space<hbm>>
      tpu.wait_indirect_dma semaphore(%arg15 : memref<!tpu.dma_semaphore, #tpu.memory_space<semaphore_mem>>) src(%dma_wait3A_211 : memref<100001x64xf32, #tpu.memory_space<hbm>>) dst(%dma_wait3A_205 : memref<72x64xf32, #tpu.memory_space<vmem>>)
      %add3A_212 = arith.addi %mul3A_2, %add3A_191 : i32
      %dma_start3A_213 = arith.constant 0 : i32
      %dma_start3A_214 = arith.constant 0 : i32
      %dma_start3A_215 = tpu.memref_slice %arg4[%add3A_212, %dma_start3A_213, %dma_start3A_214] : memref<4096x200x64xf32, #tpu.memory_space<hbm>> -> memref<1x200x64xf32, #tpu.memory_space<hbm>>
      %dma_start3A_216 = tpu.memref_squeeze %dma_start3A_215 : memref<1x200x64xf32, #tpu.memory_space<hbm>> -> memref<200x64xf32, #tpu.memory_space<hbm>>
      %dma_start3A_217 = arith.constant 0 : i32
      %dma_start3A_218 = arith.constant 0 : i32
      %dma_start3A_219 = tpu.memref_slice %arg4[%add3A_212, %dma_start3A_217, %dma_start3A_218] : memref<4096x200x64xf32, #tpu.memory_space<hbm>> -> memref<1x200x64xf32, #tpu.memory_space<hbm>>
      %dma_start3A_220 = tpu.memref_squeeze %dma_start3A_219 : memref<1x200x64xf32, #tpu.memory_space<hbm>> -> memref<200x64xf32, #tpu.memory_space<hbm>>
      tpu.enqueue_dma source(%arg7 : memref<200x64xf32, #tpu.memory_space<vmem>>) target(%dma_start3A_220 : memref<200x64xf32, #tpu.memory_space<hbm>>) target_semaphore(%arg23 : memref<!tpu.dma_semaphore, #tpu.memory_space<semaphore_mem>>)
      %add3A_221 = arith.constant 4 : i32
      %add3A_222 = arith.addi %add3A_191, %add3A_221 : i32
      %lt3A_223 = arith.constant 128 : i32
      %lt3A_224 = arith.cmpi slt, %add3A_222, %lt3A_223 : i32
      %convert_element_type3A_225 = arith.extui %lt3A_224 : i1 to i32
      %cond3A_226 = arith.constant 0 : i32
      %cond3A_227 = arith.cmpi ne, %convert_element_type3A_225, %cond3A_226 : i32
      scf.if %cond3A_227 {
        %ge3A = arith.constant 8 : i32
        %ge3A_468 = arith.cmpi sge, %add3A_222, %ge3A : i32
        %convert_element_type3A_469 = arith.extui %ge3A_468 : i1 to i32
        %cond3A_470 = arith.constant 0 : i32
        %cond3A_471 = arith.cmpi ne, %convert_element_type3A_469, %cond3A_470 : i32
        scf.if %cond3A_471 {
          %dma_wait3A_490 = arith.constant 0 : i32
          %dma_wait3A_491 = arith.constant 0 : i32
          %dma_wait3A_492 = tpu.memref_slice %arg4[%mul3A_2, %dma_wait3A_490, %dma_wait3A_491] : memref<4096x200x64xf32, #tpu.memory_space<hbm>> -> memref<1x200x64xf32, #tpu.memory_space<hbm>>
          %dma_wait3A_493 = tpu.memref_squeeze %dma_wait3A_492 : memref<1x200x64xf32, #tpu.memory_space<hbm>> -> memref<200x64xf32, #tpu.memory_space<hbm>>
          %dma_wait3A_494 = arith.constant 0 : i32
          %dma_wait3A_495 = arith.constant 0 : i32
          %dma_wait3A_496 = tpu.memref_slice %arg4[%mul3A_2, %dma_wait3A_494, %dma_wait3A_495] : memref<4096x200x64xf32, #tpu.memory_space<hbm>> -> memref<1x200x64xf32, #tpu.memory_space<hbm>>
          %dma_wait3A_497 = tpu.memref_squeeze %dma_wait3A_496 : memref<1x200x64xf32, #tpu.memory_space<hbm>> -> memref<200x64xf32, #tpu.memory_space<hbm>>
          tpu.wait_dma2 semaphore(%arg27 : memref<!tpu.dma_semaphore, #tpu.memory_space<semaphore_mem>>) src(%arg11 : memref<200x64xf32, #tpu.memory_space<vmem>>) dst(%dma_wait3A_497 : memref<200x64xf32, #tpu.memory_space<hbm>>)
        } else {
        }
        %dma_start3A_472 = arith.constant 0 : i32
        %dma_start3A_473 = arith.constant 0 : i32
        %dma_start3A_474 = tpu.memref_slice %arg11[%dma_start3A_472, %dma_start3A_473] : memref<200x64xf32, #tpu.memory_space<vmem>> -> memref<128x64xf32, #tpu.memory_space<vmem>>
        %dma_start3A_475 = arith.constant 0 : i32
        %dma_start3A_476 = tpu.memref_slice %arg5[%add3A_222, %dma_start3A_475] : memref<128x200xi32, #tpu.memory_space<vmem>> -> memref<1x128xi32, #tpu.memory_space<vmem>>
        %dma_start3A_477 = tpu.memref_squeeze %dma_start3A_476 : memref<1x128xi32, #tpu.memory_space<vmem>> -> memref<128xi32, #tpu.memory_space<vmem>>
        %dma_start3A_478 = arith.constant 0 : i32
        %dma_start3A_479 = arith.constant 0 : i32
        %dma_start3A_480 = tpu.memref_slice %arg3[%dma_start3A_478, %dma_start3A_479] : memref<100001x64xf32, #tpu.memory_space<hbm>> -> memref<100001x64xf32, #tpu.memory_space<hbm>>
        tpu.enqueue_indirect_dma source(%dma_start3A_480 : memref<100001x64xf32, #tpu.memory_space<hbm>>) target(%dma_start3A_474 : memref<128x64xf32, #tpu.memory_space<vmem>>) offsets(%dma_start3A_477 : memref<128xi32, #tpu.memory_space<vmem>>) semaphore(%arg19 : memref<!tpu.dma_semaphore, #tpu.memory_space<semaphore_mem>>)
        %dma_start3A_481 = arith.constant 128 : i32
        %dma_start3A_482 = arith.constant 0 : i32
        %dma_start3A_483 = tpu.memref_slice %arg11[%dma_start3A_481, %dma_start3A_482] : memref<200x64xf32, #tpu.memory_space<vmem>> -> memref<72x64xf32, #tpu.memory_space<vmem>>
        %dma_start3A_484 = arith.constant 128 : i32
        %dma_start3A_485 = tpu.memref_slice %arg5[%add3A_222, %dma_start3A_484] : memref<128x200xi32, #tpu.memory_space<vmem>> -> memref<1x72xi32, #tpu.memory_space<vmem>>
        %dma_start3A_486 = tpu.memref_squeeze %dma_start3A_485 : memref<1x72xi32, #tpu.memory_space<vmem>> -> memref<72xi32, #tpu.memory_space<vmem>>
        %dma_start3A_487 = arith.constant 0 : i32
        %dma_start3A_488 = arith.constant 0 : i32
        %dma_start3A_489 = tpu.memref_slice %arg3[%dma_start3A_487, %dma_start3A_488] : memref<100001x64xf32, #tpu.memory_space<hbm>> -> memref<100001x64xf32, #tpu.memory_space<hbm>>
        tpu.enqueue_indirect_dma source(%dma_start3A_489 : memref<100001x64xf32, #tpu.memory_space<hbm>>) target(%dma_start3A_483 : memref<72x64xf32, #tpu.memory_space<vmem>>) offsets(%dma_start3A_486 : memref<72xi32, #tpu.memory_space<vmem>>) semaphore(%arg19 : memref<!tpu.dma_semaphore, #tpu.memory_space<semaphore_mem>>)
      } else {
      }
      %mul3A_228 = arith.constant 8 : i32
      %mul3A_229 = arith.muli %scan3A_150, %mul3A_228 : i32
      %add3A_230 = arith.constant 2 : i32
      %add3A_231 = arith.addi %mul3A_229, %add3A_230 : i32
      %dma_wait3A_232 = arith.constant 0 : i32
      %dma_wait3A_233 = arith.constant 0 : i32
      %dma_wait3A_234 = arith.constant 0 : i32
      %dma_wait3A_235 = tpu.memref_slice %arg8[%dma_wait3A_233, %dma_wait3A_234] : memref<200x64xf32, #tpu.memory_space<vmem>> -> memref<128x64xf32, #tpu.memory_space<vmem>>
      %dma_wait3A_236 = arith.constant 0 : i32
      %dma_wait3A_237 = tpu.memref_slice %arg5[%dma_wait3A_232, %dma_wait3A_236] : memref<128x200xi32, #tpu.memory_space<vmem>> -> memref<1x128xi32, #tpu.memory_space<vmem>>
      %dma_wait3A_238 = tpu.memref_squeeze %dma_wait3A_237 : memref<1x128xi32, #tpu.memory_space<vmem>> -> memref<128xi32, #tpu.memory_space<vmem>>
      %dma_wait3A_239 = arith.constant 0 : i32
      %dma_wait3A_240 = arith.constant 0 : i32
      %dma_wait3A_241 = tpu.memref_slice %arg3[%dma_wait3A_239, %dma_wait3A_240] : memref<100001x64xf32, #tpu.memory_space<hbm>> -> memref<100001x64xf32, #tpu.memory_space<hbm>>
      tpu.wait_indirect_dma semaphore(%arg16 : memref<!tpu.dma_semaphore, #tpu.memory_space<semaphore_mem>>) src(%dma_wait3A_241 : memref<100001x64xf32, #tpu.memory_space<hbm>>) dst(%dma_wait3A_235 : memref<128x64xf32, #tpu.memory_space<vmem>>)
      %dma_wait3A_242 = arith.constant 0 : i32
      %dma_wait3A_243 = arith.constant 128 : i32
      %dma_wait3A_244 = arith.constant 0 : i32
      %dma_wait3A_245 = tpu.memref_slice %arg8[%dma_wait3A_243, %dma_wait3A_244] : memref<200x64xf32, #tpu.memory_space<vmem>> -> memref<72x64xf32, #tpu.memory_space<vmem>>
      %dma_wait3A_246 = arith.constant 128 : i32
      %dma_wait3A_247 = tpu.memref_slice %arg5[%dma_wait3A_242, %dma_wait3A_246] : memref<128x200xi32, #tpu.memory_space<vmem>> -> memref<1x72xi32, #tpu.memory_space<vmem>>
      %dma_wait3A_248 = tpu.memref_squeeze %dma_wait3A_247 : memref<1x72xi32, #tpu.memory_space<vmem>> -> memref<72xi32, #tpu.memory_space<vmem>>
      %dma_wait3A_249 = arith.constant 0 : i32
      %dma_wait3A_250 = arith.constant 0 : i32
      %dma_wait3A_251 = tpu.memref_slice %arg3[%dma_wait3A_249, %dma_wait3A_250] : memref<100001x64xf32, #tpu.memory_space<hbm>> -> memref<100001x64xf32, #tpu.memory_space<hbm>>
      tpu.wait_indirect_dma semaphore(%arg16 : memref<!tpu.dma_semaphore, #tpu.memory_space<semaphore_mem>>) src(%dma_wait3A_251 : memref<100001x64xf32, #tpu.memory_space<hbm>>) dst(%dma_wait3A_245 : memref<72x64xf32, #tpu.memory_space<vmem>>)
      %add3A_252 = arith.addi %mul3A_2, %add3A_231 : i32
      %dma_start3A_253 = arith.constant 0 : i32
      %dma_start3A_254 = arith.constant 0 : i32
      %dma_start3A_255 = tpu.memref_slice %arg4[%add3A_252, %dma_start3A_253, %dma_start3A_254] : memref<4096x200x64xf32, #tpu.memory_space<hbm>> -> memref<1x200x64xf32, #tpu.memory_space<hbm>>
      %dma_start3A_256 = tpu.memref_squeeze %dma_start3A_255 : memref<1x200x64xf32, #tpu.memory_space<hbm>> -> memref<200x64xf32, #tpu.memory_space<hbm>>
      %dma_start3A_257 = arith.constant 0 : i32
      %dma_start3A_258 = arith.constant 0 : i32
      %dma_start3A_259 = tpu.memref_slice %arg4[%add3A_252, %dma_start3A_257, %dma_start3A_258] : memref<4096x200x64xf32, #tpu.memory_space<hbm>> -> memref<1x200x64xf32, #tpu.memory_space<hbm>>
      %dma_start3A_260 = tpu.memref_squeeze %dma_start3A_259 : memref<1x200x64xf32, #tpu.memory_space<hbm>> -> memref<200x64xf32, #tpu.memory_space<hbm>>
      tpu.enqueue_dma source(%arg8 : memref<200x64xf32, #tpu.memory_space<vmem>>) target(%dma_start3A_260 : memref<200x64xf32, #tpu.memory_space<hbm>>) target_semaphore(%arg24 : memref<!tpu.dma_semaphore, #tpu.memory_space<semaphore_mem>>)
      %add3A_261 = arith.constant 4 : i32
      %add3A_262 = arith.addi %add3A_231, %add3A_261 : i32
      %lt3A_263 = arith.constant 128 : i32
      %lt3A_264 = arith.cmpi slt, %add3A_262, %lt3A_263 : i32
      %convert_element_type3A_265 = arith.extui %lt3A_264 : i1 to i32
      %cond3A_266 = arith.constant 0 : i32
      %cond3A_267 = arith.cmpi ne, %convert_element_type3A_265, %cond3A_266 : i32
      scf.if %cond3A_267 {
        %ge3A = arith.constant 8 : i32
        %ge3A_468 = arith.cmpi sge, %add3A_262, %ge3A : i32
        %convert_element_type3A_469 = arith.extui %ge3A_468 : i1 to i32
        %cond3A_470 = arith.constant 0 : i32
        %cond3A_471 = arith.cmpi ne, %convert_element_type3A_469, %cond3A_470 : i32
        scf.if %cond3A_471 {
          %dma_wait3A_490 = arith.constant 0 : i32
          %dma_wait3A_491 = arith.constant 0 : i32
          %dma_wait3A_492 = tpu.memref_slice %arg4[%mul3A_2, %dma_wait3A_490, %dma_wait3A_491] : memref<4096x200x64xf32, #tpu.memory_space<hbm>> -> memref<1x200x64xf32, #tpu.memory_space<hbm>>
          %dma_wait3A_493 = tpu.memref_squeeze %dma_wait3A_492 : memref<1x200x64xf32, #tpu.memory_space<hbm>> -> memref<200x64xf32, #tpu.memory_space<hbm>>
          %dma_wait3A_494 = arith.constant 0 : i32
          %dma_wait3A_495 = arith.constant 0 : i32
          %dma_wait3A_496 = tpu.memref_slice %arg4[%mul3A_2, %dma_wait3A_494, %dma_wait3A_495] : memref<4096x200x64xf32, #tpu.memory_space<hbm>> -> memref<1x200x64xf32, #tpu.memory_space<hbm>>
          %dma_wait3A_497 = tpu.memref_squeeze %dma_wait3A_496 : memref<1x200x64xf32, #tpu.memory_space<hbm>> -> memref<200x64xf32, #tpu.memory_space<hbm>>
          tpu.wait_dma2 semaphore(%arg28 : memref<!tpu.dma_semaphore, #tpu.memory_space<semaphore_mem>>) src(%arg12 : memref<200x64xf32, #tpu.memory_space<vmem>>) dst(%dma_wait3A_497 : memref<200x64xf32, #tpu.memory_space<hbm>>)
        } else {
        }
        %dma_start3A_472 = arith.constant 0 : i32
        %dma_start3A_473 = arith.constant 0 : i32
        %dma_start3A_474 = tpu.memref_slice %arg12[%dma_start3A_472, %dma_start3A_473] : memref<200x64xf32, #tpu.memory_space<vmem>> -> memref<128x64xf32, #tpu.memory_space<vmem>>
        %dma_start3A_475 = arith.constant 0 : i32
        %dma_start3A_476 = tpu.memref_slice %arg5[%add3A_262, %dma_start3A_475] : memref<128x200xi32, #tpu.memory_space<vmem>> -> memref<1x128xi32, #tpu.memory_space<vmem>>
        %dma_start3A_477 = tpu.memref_squeeze %dma_start3A_476 : memref<1x128xi32, #tpu.memory_space<vmem>> -> memref<128xi32, #tpu.memory_space<vmem>>
        %dma_start3A_478 = arith.constant 0 : i32
        %dma_start3A_479 = arith.constant 0 : i32
        %dma_start3A_480 = tpu.memref_slice %arg3[%dma_start3A_478, %dma_start3A_479] : memref<100001x64xf32, #tpu.memory_space<hbm>> -> memref<100001x64xf32, #tpu.memory_space<hbm>>
        tpu.enqueue_indirect_dma source(%dma_start3A_480 : memref<100001x64xf32, #tpu.memory_space<hbm>>) target(%dma_start3A_474 : memref<128x64xf32, #tpu.memory_space<vmem>>) offsets(%dma_start3A_477 : memref<128xi32, #tpu.memory_space<vmem>>) semaphore(%arg20 : memref<!tpu.dma_semaphore, #tpu.memory_space<semaphore_mem>>)
        %dma_start3A_481 = arith.constant 128 : i32
        %dma_start3A_482 = arith.constant 0 : i32
        %dma_start3A_483 = tpu.memref_slice %arg12[%dma_start3A_481, %dma_start3A_482] : memref<200x64xf32, #tpu.memory_space<vmem>> -> memref<72x64xf32, #tpu.memory_space<vmem>>
        %dma_start3A_484 = arith.constant 128 : i32
        %dma_start3A_485 = tpu.memref_slice %arg5[%add3A_262, %dma_start3A_484] : memref<128x200xi32, #tpu.memory_space<vmem>> -> memref<1x72xi32, #tpu.memory_space<vmem>>
        %dma_start3A_486 = tpu.memref_squeeze %dma_start3A_485 : memref<1x72xi32, #tpu.memory_space<vmem>> -> memref<72xi32, #tpu.memory_space<vmem>>
        %dma_start3A_487 = arith.constant 0 : i32
        %dma_start3A_488 = arith.constant 0 : i32
        %dma_start3A_489 = tpu.memref_slice %arg3[%dma_start3A_487, %dma_start3A_488] : memref<100001x64xf32, #tpu.memory_space<hbm>> -> memref<100001x64xf32, #tpu.memory_space<hbm>>
        tpu.enqueue_indirect_dma source(%dma_start3A_489 : memref<100001x64xf32, #tpu.memory_space<hbm>>) target(%dma_start3A_483 : memref<72x64xf32, #tpu.memory_space<vmem>>) offsets(%dma_start3A_486 : memref<72xi32, #tpu.memory_space<vmem>>) semaphore(%arg20 : memref<!tpu.dma_semaphore, #tpu.memory_space<semaphore_mem>>)
      } else {
      }
      %mul3A_268 = arith.constant 8 : i32
      %mul3A_269 = arith.muli %scan3A_150, %mul3A_268 : i32
      %add3A_270 = arith.constant 3 : i32
      %add3A_271 = arith.addi %mul3A_269, %add3A_270 : i32
      %dma_wait3A_272 = arith.constant 0 : i32
      %dma_wait3A_273 = arith.constant 0 : i32
      %dma_wait3A_274 = arith.constant 0 : i32
      %dma_wait3A_275 = tpu.memref_slice %arg9[%dma_wait3A_273, %dma_wait3A_274] : memref<200x64xf32, #tpu.memory_space<vmem>> -> memref<128x64xf32, #tpu.memory_space<vmem>>
      %dma_wait3A_276 = arith.constant 0 : i32
      %dma_wait3A_277 = tpu.memref_slice %arg5[%dma_wait3A_272, %dma_wait3A_276] : memref<128x200xi32, #tpu.memory_space<vmem>> -> memref<1x128xi32, #tpu.memory_space<vmem>>
      %dma_wait3A_278 = tpu.memref_squeeze %dma_wait3A_277 : memref<1x128xi32, #tpu.memory_space<vmem>> -> memref<128xi32, #tpu.memory_space<vmem>>
      %dma_wait3A_279 = arith.constant 0 : i32
      %dma_wait3A_280 = arith.constant 0 : i32
      %dma_wait3A_281 = tpu.memref_slice %arg3[%dma_wait3A_279, %dma_wait3A_280] : memref<100001x64xf32, #tpu.memory_space<hbm>> -> memref<100001x64xf32, #tpu.memory_space<hbm>>
      tpu.wait_indirect_dma semaphore(%arg17 : memref<!tpu.dma_semaphore, #tpu.memory_space<semaphore_mem>>) src(%dma_wait3A_281 : memref<100001x64xf32, #tpu.memory_space<hbm>>) dst(%dma_wait3A_275 : memref<128x64xf32, #tpu.memory_space<vmem>>)
      %dma_wait3A_282 = arith.constant 0 : i32
      %dma_wait3A_283 = arith.constant 128 : i32
      %dma_wait3A_284 = arith.constant 0 : i32
      %dma_wait3A_285 = tpu.memref_slice %arg9[%dma_wait3A_283, %dma_wait3A_284] : memref<200x64xf32, #tpu.memory_space<vmem>> -> memref<72x64xf32, #tpu.memory_space<vmem>>
      %dma_wait3A_286 = arith.constant 128 : i32
      %dma_wait3A_287 = tpu.memref_slice %arg5[%dma_wait3A_282, %dma_wait3A_286] : memref<128x200xi32, #tpu.memory_space<vmem>> -> memref<1x72xi32, #tpu.memory_space<vmem>>
      %dma_wait3A_288 = tpu.memref_squeeze %dma_wait3A_287 : memref<1x72xi32, #tpu.memory_space<vmem>> -> memref<72xi32, #tpu.memory_space<vmem>>
      %dma_wait3A_289 = arith.constant 0 : i32
      %dma_wait3A_290 = arith.constant 0 : i32
      %dma_wait3A_291 = tpu.memref_slice %arg3[%dma_wait3A_289, %dma_wait3A_290] : memref<100001x64xf32, #tpu.memory_space<hbm>> -> memref<100001x64xf32, #tpu.memory_space<hbm>>
      tpu.wait_indirect_dma semaphore(%arg17 : memref<!tpu.dma_semaphore, #tpu.memory_space<semaphore_mem>>) src(%dma_wait3A_291 : memref<100001x64xf32, #tpu.memory_space<hbm>>) dst(%dma_wait3A_285 : memref<72x64xf32, #tpu.memory_space<vmem>>)
      %add3A_292 = arith.addi %mul3A_2, %add3A_271 : i32
      %dma_start3A_293 = arith.constant 0 : i32
      %dma_start3A_294 = arith.constant 0 : i32
      %dma_start3A_295 = tpu.memref_slice %arg4[%add3A_292, %dma_start3A_293, %dma_start3A_294] : memref<4096x200x64xf32, #tpu.memory_space<hbm>> -> memref<1x200x64xf32, #tpu.memory_space<hbm>>
      %dma_start3A_296 = tpu.memref_squeeze %dma_start3A_295 : memref<1x200x64xf32, #tpu.memory_space<hbm>> -> memref<200x64xf32, #tpu.memory_space<hbm>>
      %dma_start3A_297 = arith.constant 0 : i32
      %dma_start3A_298 = arith.constant 0 : i32
      %dma_start3A_299 = tpu.memref_slice %arg4[%add3A_292, %dma_start3A_297, %dma_start3A_298] : memref<4096x200x64xf32, #tpu.memory_space<hbm>> -> memref<1x200x64xf32, #tpu.memory_space<hbm>>
      %dma_start3A_300 = tpu.memref_squeeze %dma_start3A_299 : memref<1x200x64xf32, #tpu.memory_space<hbm>> -> memref<200x64xf32, #tpu.memory_space<hbm>>
      tpu.enqueue_dma source(%arg9 : memref<200x64xf32, #tpu.memory_space<vmem>>) target(%dma_start3A_300 : memref<200x64xf32, #tpu.memory_space<hbm>>) target_semaphore(%arg25 : memref<!tpu.dma_semaphore, #tpu.memory_space<semaphore_mem>>)
      %add3A_301 = arith.constant 4 : i32
      %add3A_302 = arith.addi %add3A_271, %add3A_301 : i32
      %lt3A_303 = arith.constant 128 : i32
      %lt3A_304 = arith.cmpi slt, %add3A_302, %lt3A_303 : i32
      %convert_element_type3A_305 = arith.extui %lt3A_304 : i1 to i32
      %cond3A_306 = arith.constant 0 : i32
      %cond3A_307 = arith.cmpi ne, %convert_element_type3A_305, %cond3A_306 : i32
      scf.if %cond3A_307 {
        %ge3A = arith.constant 8 : i32
        %ge3A_468 = arith.cmpi sge, %add3A_302, %ge3A : i32
        %convert_element_type3A_469 = arith.extui %ge3A_468 : i1 to i32
        %cond3A_470 = arith.constant 0 : i32
        %cond3A_471 = arith.cmpi ne, %convert_element_type3A_469, %cond3A_470 : i32
        scf.if %cond3A_471 {
          %dma_wait3A_490 = arith.constant 0 : i32
          %dma_wait3A_491 = arith.constant 0 : i32
          %dma_wait3A_492 = tpu.memref_slice %arg4[%mul3A_2, %dma_wait3A_490, %dma_wait3A_491] : memref<4096x200x64xf32, #tpu.memory_space<hbm>> -> memref<1x200x64xf32, #tpu.memory_space<hbm>>
          %dma_wait3A_493 = tpu.memref_squeeze %dma_wait3A_492 : memref<1x200x64xf32, #tpu.memory_space<hbm>> -> memref<200x64xf32, #tpu.memory_space<hbm>>
          %dma_wait3A_494 = arith.constant 0 : i32
          %dma_wait3A_495 = arith.constant 0 : i32
          %dma_wait3A_496 = tpu.memref_slice %arg4[%mul3A_2, %dma_wait3A_494, %dma_wait3A_495] : memref<4096x200x64xf32, #tpu.memory_space<hbm>> -> memref<1x200x64xf32, #tpu.memory_space<hbm>>
          %dma_wait3A_497 = tpu.memref_squeeze %dma_wait3A_496 : memref<1x200x64xf32, #tpu.memory_space<hbm>> -> memref<200x64xf32, #tpu.memory_space<hbm>>
          tpu.wait_dma2 semaphore(%arg29 : memref<!tpu.dma_semaphore, #tpu.memory_space<semaphore_mem>>) src(%arg13 : memref<200x64xf32, #tpu.memory_space<vmem>>) dst(%dma_wait3A_497 : memref<200x64xf32, #tpu.memory_space<hbm>>)
        } else {
        }
        %dma_start3A_472 = arith.constant 0 : i32
        %dma_start3A_473 = arith.constant 0 : i32
        %dma_start3A_474 = tpu.memref_slice %arg13[%dma_start3A_472, %dma_start3A_473] : memref<200x64xf32, #tpu.memory_space<vmem>> -> memref<128x64xf32, #tpu.memory_space<vmem>>
        %dma_start3A_475 = arith.constant 0 : i32
        %dma_start3A_476 = tpu.memref_slice %arg5[%add3A_302, %dma_start3A_475] : memref<128x200xi32, #tpu.memory_space<vmem>> -> memref<1x128xi32, #tpu.memory_space<vmem>>
        %dma_start3A_477 = tpu.memref_squeeze %dma_start3A_476 : memref<1x128xi32, #tpu.memory_space<vmem>> -> memref<128xi32, #tpu.memory_space<vmem>>
        %dma_start3A_478 = arith.constant 0 : i32
        %dma_start3A_479 = arith.constant 0 : i32
        %dma_start3A_480 = tpu.memref_slice %arg3[%dma_start3A_478, %dma_start3A_479] : memref<100001x64xf32, #tpu.memory_space<hbm>> -> memref<100001x64xf32, #tpu.memory_space<hbm>>
        tpu.enqueue_indirect_dma source(%dma_start3A_480 : memref<100001x64xf32, #tpu.memory_space<hbm>>) target(%dma_start3A_474 : memref<128x64xf32, #tpu.memory_space<vmem>>) offsets(%dma_start3A_477 : memref<128xi32, #tpu.memory_space<vmem>>) semaphore(%arg21 : memref<!tpu.dma_semaphore, #tpu.memory_space<semaphore_mem>>)
        %dma_start3A_481 = arith.constant 128 : i32
        %dma_start3A_482 = arith.constant 0 : i32
        %dma_start3A_483 = tpu.memref_slice %arg13[%dma_start3A_481, %dma_start3A_482] : memref<200x64xf32, #tpu.memory_space<vmem>> -> memref<72x64xf32, #tpu.memory_space<vmem>>
        %dma_start3A_484 = arith.constant 128 : i32
        %dma_start3A_485 = tpu.memref_slice %arg5[%add3A_302, %dma_start3A_484] : memref<128x200xi32, #tpu.memory_space<vmem>> -> memref<1x72xi32, #tpu.memory_space<vmem>>
        %dma_start3A_486 = tpu.memref_squeeze %dma_start3A_485 : memref<1x72xi32, #tpu.memory_space<vmem>> -> memref<72xi32, #tpu.memory_space<vmem>>
        %dma_start3A_487 = arith.constant 0 : i32
        %dma_start3A_488 = arith.constant 0 : i32
        %dma_start3A_489 = tpu.memref_slice %arg3[%dma_start3A_487, %dma_start3A_488] : memref<100001x64xf32, #tpu.memory_space<hbm>> -> memref<100001x64xf32, #tpu.memory_space<hbm>>
        tpu.enqueue_indirect_dma source(%dma_start3A_489 : memref<100001x64xf32, #tpu.memory_space<hbm>>) target(%dma_start3A_483 : memref<72x64xf32, #tpu.memory_space<vmem>>) offsets(%dma_start3A_486 : memref<72xi32, #tpu.memory_space<vmem>>) semaphore(%arg21 : memref<!tpu.dma_semaphore, #tpu.memory_space<semaphore_mem>>)
      } else {
      }
      %mul3A_308 = arith.constant 8 : i32
      %mul3A_309 = arith.muli %scan3A_150, %mul3A_308 : i32
      %add3A_310 = arith.constant 4 : i32
      %add3A_311 = arith.addi %mul3A_309, %add3A_310 : i32
      %dma_wait3A_312 = arith.constant 0 : i32
      %dma_wait3A_313 = arith.constant 0 : i32
      %dma_wait3A_314 = arith.constant 0 : i32
      %dma_wait3A_315 = tpu.memref_slice %arg10[%dma_wait3A_313, %dma_wait3A_314] : memref<200x64xf32, #tpu.memory_space<vmem>> -> memref<128x64xf32, #tpu.memory_space<vmem>>
      %dma_wait3A_316 = arith.constant 0 : i32
      %dma_wait3A_317 = tpu.memref_slice %arg5[%dma_wait3A_312, %dma_wait3A_316] : memref<128x200xi32, #tpu.memory_space<vmem>> -> memref<1x128xi32, #tpu.memory_space<vmem>>
      %dma_wait3A_318 = tpu.memref_squeeze %dma_wait3A_317 : memref<1x128xi32, #tpu.memory_space<vmem>> -> memref<128xi32, #tpu.memory_space<vmem>>
      %dma_wait3A_319 = arith.constant 0 : i32
      %dma_wait3A_320 = arith.constant 0 : i32
      %dma_wait3A_321 = tpu.memref_slice %arg3[%dma_wait3A_319, %dma_wait3A_320] : memref<100001x64xf32, #tpu.memory_space<hbm>> -> memref<100001x64xf32, #tpu.memory_space<hbm>>
      tpu.wait_indirect_dma semaphore(%arg18 : memref<!tpu.dma_semaphore, #tpu.memory_space<semaphore_mem>>) src(%dma_wait3A_321 : memref<100001x64xf32, #tpu.memory_space<hbm>>) dst(%dma_wait3A_315 : memref<128x64xf32, #tpu.memory_space<vmem>>)
      %dma_wait3A_322 = arith.constant 0 : i32
      %dma_wait3A_323 = arith.constant 128 : i32
      %dma_wait3A_324 = arith.constant 0 : i32
      %dma_wait3A_325 = tpu.memref_slice %arg10[%dma_wait3A_323, %dma_wait3A_324] : memref<200x64xf32, #tpu.memory_space<vmem>> -> memref<72x64xf32, #tpu.memory_space<vmem>>
      %dma_wait3A_326 = arith.constant 128 : i32
      %dma_wait3A_327 = tpu.memref_slice %arg5[%dma_wait3A_322, %dma_wait3A_326] : memref<128x200xi32, #tpu.memory_space<vmem>> -> memref<1x72xi32, #tpu.memory_space<vmem>>
      %dma_wait3A_328 = tpu.memref_squeeze %dma_wait3A_327 : memref<1x72xi32, #tpu.memory_space<vmem>> -> memref<72xi32, #tpu.memory_space<vmem>>
      %dma_wait3A_329 = arith.constant 0 : i32
      %dma_wait3A_330 = arith.constant 0 : i32
      %dma_wait3A_331 = tpu.memref_slice %arg3[%dma_wait3A_329, %dma_wait3A_330] : memref<100001x64xf32, #tpu.memory_space<hbm>> -> memref<100001x64xf32, #tpu.memory_space<hbm>>
      tpu.wait_indirect_dma semaphore(%arg18 : memref<!tpu.dma_semaphore, #tpu.memory_space<semaphore_mem>>) src(%dma_wait3A_331 : memref<100001x64xf32, #tpu.memory_space<hbm>>) dst(%dma_wait3A_325 : memref<72x64xf32, #tpu.memory_space<vmem>>)
      %add3A_332 = arith.addi %mul3A_2, %add3A_311 : i32
      %dma_start3A_333 = arith.constant 0 : i32
      %dma_start3A_334 = arith.constant 0 : i32
      %dma_start3A_335 = tpu.memref_slice %arg4[%add3A_332, %dma_start3A_333, %dma_start3A_334] : memref<4096x200x64xf32, #tpu.memory_space<hbm>> -> memref<1x200x64xf32, #tpu.memory_space<hbm>>
      %dma_start3A_336 = tpu.memref_squeeze %dma_start3A_335 : memref<1x200x64xf32, #tpu.memory_space<hbm>> -> memref<200x64xf32, #tpu.memory_space<hbm>>
      %dma_start3A_337 = arith.constant 0 : i32
      %dma_start3A_338 = arith.constant 0 : i32
      %dma_start3A_339 = tpu.memref_slice %arg4[%add3A_332, %dma_start3A_337, %dma_start3A_338] : memref<4096x200x64xf32, #tpu.memory_space<hbm>> -> memref<1x200x64xf32, #tpu.memory_space<hbm>>
      %dma_start3A_340 = tpu.memref_squeeze %dma_start3A_339 : memref<1x200x64xf32, #tpu.memory_space<hbm>> -> memref<200x64xf32, #tpu.memory_space<hbm>>
      tpu.enqueue_dma source(%arg10 : memref<200x64xf32, #tpu.memory_space<vmem>>) target(%dma_start3A_340 : memref<200x64xf32, #tpu.memory_space<hbm>>) target_semaphore(%arg26 : memref<!tpu.dma_semaphore, #tpu.memory_space<semaphore_mem>>)
      %add3A_341 = arith.constant 4 : i32
      %add3A_342 = arith.addi %add3A_311, %add3A_341 : i32
      %lt3A_343 = arith.constant 128 : i32
      %lt3A_344 = arith.cmpi slt, %add3A_342, %lt3A_343 : i32
      %convert_element_type3A_345 = arith.extui %lt3A_344 : i1 to i32
      %cond3A_346 = arith.constant 0 : i32
      %cond3A_347 = arith.cmpi ne, %convert_element_type3A_345, %cond3A_346 : i32
      scf.if %cond3A_347 {
        %ge3A = arith.constant 8 : i32
        %ge3A_468 = arith.cmpi sge, %add3A_342, %ge3A : i32
        %convert_element_type3A_469 = arith.extui %ge3A_468 : i1 to i32
        %cond3A_470 = arith.constant 0 : i32
        %cond3A_471 = arith.cmpi ne, %convert_element_type3A_469, %cond3A_470 : i32
        scf.if %cond3A_471 {
          %dma_wait3A_490 = arith.constant 0 : i32
          %dma_wait3A_491 = arith.constant 0 : i32
          %dma_wait3A_492 = tpu.memref_slice %arg4[%mul3A_2, %dma_wait3A_490, %dma_wait3A_491] : memref<4096x200x64xf32, #tpu.memory_space<hbm>> -> memref<1x200x64xf32, #tpu.memory_space<hbm>>
          %dma_wait3A_493 = tpu.memref_squeeze %dma_wait3A_492 : memref<1x200x64xf32, #tpu.memory_space<hbm>> -> memref<200x64xf32, #tpu.memory_space<hbm>>
          %dma_wait3A_494 = arith.constant 0 : i32
          %dma_wait3A_495 = arith.constant 0 : i32
          %dma_wait3A_496 = tpu.memref_slice %arg4[%mul3A_2, %dma_wait3A_494, %dma_wait3A_495] : memref<4096x200x64xf32, #tpu.memory_space<hbm>> -> memref<1x200x64xf32, #tpu.memory_space<hbm>>
          %dma_wait3A_497 = tpu.memref_squeeze %dma_wait3A_496 : memref<1x200x64xf32, #tpu.memory_space<hbm>> -> memref<200x64xf32, #tpu.memory_space<hbm>>
          tpu.wait_dma2 semaphore(%arg22 : memref<!tpu.dma_semaphore, #tpu.memory_space<semaphore_mem>>) src(%arg6 : memref<200x64xf32, #tpu.memory_space<vmem>>) dst(%dma_wait3A_497 : memref<200x64xf32, #tpu.memory_space<hbm>>)
        } else {
        }
        %dma_start3A_472 = arith.constant 0 : i32
        %dma_start3A_473 = arith.constant 0 : i32
        %dma_start3A_474 = tpu.memref_slice %arg6[%dma_start3A_472, %dma_start3A_473] : memref<200x64xf32, #tpu.memory_space<vmem>> -> memref<128x64xf32, #tpu.memory_space<vmem>>
        %dma_start3A_475 = arith.constant 0 : i32
        %dma_start3A_476 = tpu.memref_slice %arg5[%add3A_342, %dma_start3A_475] : memref<128x200xi32, #tpu.memory_space<vmem>> -> memref<1x128xi32, #tpu.memory_space<vmem>>
        %dma_start3A_477 = tpu.memref_squeeze %dma_start3A_476 : memref<1x128xi32, #tpu.memory_space<vmem>> -> memref<128xi32, #tpu.memory_space<vmem>>
        %dma_start3A_478 = arith.constant 0 : i32
        %dma_start3A_479 = arith.constant 0 : i32
        %dma_start3A_480 = tpu.memref_slice %arg3[%dma_start3A_478, %dma_start3A_479] : memref<100001x64xf32, #tpu.memory_space<hbm>> -> memref<100001x64xf32, #tpu.memory_space<hbm>>
        tpu.enqueue_indirect_dma source(%dma_start3A_480 : memref<100001x64xf32, #tpu.memory_space<hbm>>) target(%dma_start3A_474 : memref<128x64xf32, #tpu.memory_space<vmem>>) offsets(%dma_start3A_477 : memref<128xi32, #tpu.memory_space<vmem>>) semaphore(%arg14 : memref<!tpu.dma_semaphore, #tpu.memory_space<semaphore_mem>>)
        %dma_start3A_481 = arith.constant 128 : i32
        %dma_start3A_482 = arith.constant 0 : i32
        %dma_start3A_483 = tpu.memref_slice %arg6[%dma_start3A_481, %dma_start3A_482] : memref<200x64xf32, #tpu.memory_space<vmem>> -> memref<72x64xf32, #tpu.memory_space<vmem>>
        %dma_start3A_484 = arith.constant 128 : i32
        %dma_start3A_485 = tpu.memref_slice %arg5[%add3A_342, %dma_start3A_484] : memref<128x200xi32, #tpu.memory_space<vmem>> -> memref<1x72xi32, #tpu.memory_space<vmem>>
        %dma_start3A_486 = tpu.memref_squeeze %dma_start3A_485 : memref<1x72xi32, #tpu.memory_space<vmem>> -> memref<72xi32, #tpu.memory_space<vmem>>
        %dma_start3A_487 = arith.constant 0 : i32
        %dma_start3A_488 = arith.constant 0 : i32
        %dma_start3A_489 = tpu.memref_slice %arg3[%dma_start3A_487, %dma_start3A_488] : memref<100001x64xf32, #tpu.memory_space<hbm>> -> memref<100001x64xf32, #tpu.memory_space<hbm>>
        tpu.enqueue_indirect_dma source(%dma_start3A_489 : memref<100001x64xf32, #tpu.memory_space<hbm>>) target(%dma_start3A_483 : memref<72x64xf32, #tpu.memory_space<vmem>>) offsets(%dma_start3A_486 : memref<72xi32, #tpu.memory_space<vmem>>) semaphore(%arg14 : memref<!tpu.dma_semaphore, #tpu.memory_space<semaphore_mem>>)
      } else {
      }
      %mul3A_348 = arith.constant 8 : i32
      %mul3A_349 = arith.muli %scan3A_150, %mul3A_348 : i32
      %add3A_350 = arith.constant 5 : i32
      %add3A_351 = arith.addi %mul3A_349, %add3A_350 : i32
      %dma_wait3A_352 = arith.constant 0 : i32
      %dma_wait3A_353 = arith.constant 0 : i32
      %dma_wait3A_354 = arith.constant 0 : i32
      %dma_wait3A_355 = tpu.memref_slice %arg11[%dma_wait3A_353, %dma_wait3A_354] : memref<200x64xf32, #tpu.memory_space<vmem>> -> memref<128x64xf32, #tpu.memory_space<vmem>>
      %dma_wait3A_356 = arith.constant 0 : i32
      %dma_wait3A_357 = tpu.memref_slice %arg5[%dma_wait3A_352, %dma_wait3A_356] : memref<128x200xi32, #tpu.memory_space<vmem>> -> memref<1x128xi32, #tpu.memory_space<vmem>>
      %dma_wait3A_358 = tpu.memref_squeeze %dma_wait3A_357 : memref<1x128xi32, #tpu.memory_space<vmem>> -> memref<128xi32, #tpu.memory_space<vmem>>
      %dma_wait3A_359 = arith.constant 0 : i32
      %dma_wait3A_360 = arith.constant 0 : i32
      %dma_wait3A_361 = tpu.memref_slice %arg3[%dma_wait3A_359, %dma_wait3A_360] : memref<100001x64xf32, #tpu.memory_space<hbm>> -> memref<100001x64xf32, #tpu.memory_space<hbm>>
      tpu.wait_indirect_dma semaphore(%arg19 : memref<!tpu.dma_semaphore, #tpu.memory_space<semaphore_mem>>) src(%dma_wait3A_361 : memref<100001x64xf32, #tpu.memory_space<hbm>>) dst(%dma_wait3A_355 : memref<128x64xf32, #tpu.memory_space<vmem>>)
      %dma_wait3A_362 = arith.constant 0 : i32
      %dma_wait3A_363 = arith.constant 128 : i32
      %dma_wait3A_364 = arith.constant 0 : i32
      %dma_wait3A_365 = tpu.memref_slice %arg11[%dma_wait3A_363, %dma_wait3A_364] : memref<200x64xf32, #tpu.memory_space<vmem>> -> memref<72x64xf32, #tpu.memory_space<vmem>>
      %dma_wait3A_366 = arith.constant 128 : i32
      %dma_wait3A_367 = tpu.memref_slice %arg5[%dma_wait3A_362, %dma_wait3A_366] : memref<128x200xi32, #tpu.memory_space<vmem>> -> memref<1x72xi32, #tpu.memory_space<vmem>>
      %dma_wait3A_368 = tpu.memref_squeeze %dma_wait3A_367 : memref<1x72xi32, #tpu.memory_space<vmem>> -> memref<72xi32, #tpu.memory_space<vmem>>
      %dma_wait3A_369 = arith.constant 0 : i32
      %dma_wait3A_370 = arith.constant 0 : i32
      %dma_wait3A_371 = tpu.memref_slice %arg3[%dma_wait3A_369, %dma_wait3A_370] : memref<100001x64xf32, #tpu.memory_space<hbm>> -> memref<100001x64xf32, #tpu.memory_space<hbm>>
      tpu.wait_indirect_dma semaphore(%arg19 : memref<!tpu.dma_semaphore, #tpu.memory_space<semaphore_mem>>) src(%dma_wait3A_371 : memref<100001x64xf32, #tpu.memory_space<hbm>>) dst(%dma_wait3A_365 : memref<72x64xf32, #tpu.memory_space<vmem>>)
      %add3A_372 = arith.addi %mul3A_2, %add3A_351 : i32
      %dma_start3A_373 = arith.constant 0 : i32
      %dma_start3A_374 = arith.constant 0 : i32
      %dma_start3A_375 = tpu.memref_slice %arg4[%add3A_372, %dma_start3A_373, %dma_start3A_374] : memref<4096x200x64xf32, #tpu.memory_space<hbm>> -> memref<1x200x64xf32, #tpu.memory_space<hbm>>
      %dma_start3A_376 = tpu.memref_squeeze %dma_start3A_375 : memref<1x200x64xf32, #tpu.memory_space<hbm>> -> memref<200x64xf32, #tpu.memory_space<hbm>>
      %dma_start3A_377 = arith.constant 0 : i32
      %dma_start3A_378 = arith.constant 0 : i32
      %dma_start3A_379 = tpu.memref_slice %arg4[%add3A_372, %dma_start3A_377, %dma_start3A_378] : memref<4096x200x64xf32, #tpu.memory_space<hbm>> -> memref<1x200x64xf32, #tpu.memory_space<hbm>>
      %dma_start3A_380 = tpu.memref_squeeze %dma_start3A_379 : memref<1x200x64xf32, #tpu.memory_space<hbm>> -> memref<200x64xf32, #tpu.memory_space<hbm>>
      tpu.enqueue_dma source(%arg11 : memref<200x64xf32, #tpu.memory_space<vmem>>) target(%dma_start3A_380 : memref<200x64xf32, #tpu.memory_space<hbm>>) target_semaphore(%arg27 : memref<!tpu.dma_semaphore, #tpu.memory_space<semaphore_mem>>)
      %add3A_381 = arith.constant 4 : i32
      %add3A_382 = arith.addi %add3A_351, %add3A_381 : i32
      %lt3A_383 = arith.constant 128 : i32
      %lt3A_384 = arith.cmpi slt, %add3A_382, %lt3A_383 : i32
      %convert_element_type3A_385 = arith.extui %lt3A_384 : i1 to i32
      %cond3A_386 = arith.constant 0 : i32
      %cond3A_387 = arith.cmpi ne, %convert_element_type3A_385, %cond3A_386 : i32
      scf.if %cond3A_387 {
        %ge3A = arith.constant 8 : i32
        %ge3A_468 = arith.cmpi sge, %add3A_382, %ge3A : i32
        %convert_element_type3A_469 = arith.extui %ge3A_468 : i1 to i32
        %cond3A_470 = arith.constant 0 : i32
        %cond3A_471 = arith.cmpi ne, %convert_element_type3A_469, %cond3A_470 : i32
        scf.if %cond3A_471 {
          %dma_wait3A_490 = arith.constant 0 : i32
          %dma_wait3A_491 = arith.constant 0 : i32
          %dma_wait3A_492 = tpu.memref_slice %arg4[%mul3A_2, %dma_wait3A_490, %dma_wait3A_491] : memref<4096x200x64xf32, #tpu.memory_space<hbm>> -> memref<1x200x64xf32, #tpu.memory_space<hbm>>
          %dma_wait3A_493 = tpu.memref_squeeze %dma_wait3A_492 : memref<1x200x64xf32, #tpu.memory_space<hbm>> -> memref<200x64xf32, #tpu.memory_space<hbm>>
          %dma_wait3A_494 = arith.constant 0 : i32
          %dma_wait3A_495 = arith.constant 0 : i32
          %dma_wait3A_496 = tpu.memref_slice %arg4[%mul3A_2, %dma_wait3A_494, %dma_wait3A_495] : memref<4096x200x64xf32, #tpu.memory_space<hbm>> -> memref<1x200x64xf32, #tpu.memory_space<hbm>>
          %dma_wait3A_497 = tpu.memref_squeeze %dma_wait3A_496 : memref<1x200x64xf32, #tpu.memory_space<hbm>> -> memref<200x64xf32, #tpu.memory_space<hbm>>
          tpu.wait_dma2 semaphore(%arg23 : memref<!tpu.dma_semaphore, #tpu.memory_space<semaphore_mem>>) src(%arg7 : memref<200x64xf32, #tpu.memory_space<vmem>>) dst(%dma_wait3A_497 : memref<200x64xf32, #tpu.memory_space<hbm>>)
        } else {
        }
        %dma_start3A_472 = arith.constant 0 : i32
        %dma_start3A_473 = arith.constant 0 : i32
        %dma_start3A_474 = tpu.memref_slice %arg7[%dma_start3A_472, %dma_start3A_473] : memref<200x64xf32, #tpu.memory_space<vmem>> -> memref<128x64xf32, #tpu.memory_space<vmem>>
        %dma_start3A_475 = arith.constant 0 : i32
        %dma_start3A_476 = tpu.memref_slice %arg5[%add3A_382, %dma_start3A_475] : memref<128x200xi32, #tpu.memory_space<vmem>> -> memref<1x128xi32, #tpu.memory_space<vmem>>
        %dma_start3A_477 = tpu.memref_squeeze %dma_start3A_476 : memref<1x128xi32, #tpu.memory_space<vmem>> -> memref<128xi32, #tpu.memory_space<vmem>>
        %dma_start3A_478 = arith.constant 0 : i32
        %dma_start3A_479 = arith.constant 0 : i32
        %dma_start3A_480 = tpu.memref_slice %arg3[%dma_start3A_478, %dma_start3A_479] : memref<100001x64xf32, #tpu.memory_space<hbm>> -> memref<100001x64xf32, #tpu.memory_space<hbm>>
        tpu.enqueue_indirect_dma source(%dma_start3A_480 : memref<100001x64xf32, #tpu.memory_space<hbm>>) target(%dma_start3A_474 : memref<128x64xf32, #tpu.memory_space<vmem>>) offsets(%dma_start3A_477 : memref<128xi32, #tpu.memory_space<vmem>>) semaphore(%arg15 : memref<!tpu.dma_semaphore, #tpu.memory_space<semaphore_mem>>)
        %dma_start3A_481 = arith.constant 128 : i32
        %dma_start3A_482 = arith.constant 0 : i32
        %dma_start3A_483 = tpu.memref_slice %arg7[%dma_start3A_481, %dma_start3A_482] : memref<200x64xf32, #tpu.memory_space<vmem>> -> memref<72x64xf32, #tpu.memory_space<vmem>>
        %dma_start3A_484 = arith.constant 128 : i32
        %dma_start3A_485 = tpu.memref_slice %arg5[%add3A_382, %dma_start3A_484] : memref<128x200xi32, #tpu.memory_space<vmem>> -> memref<1x72xi32, #tpu.memory_space<vmem>>
        %dma_start3A_486 = tpu.memref_squeeze %dma_start3A_485 : memref<1x72xi32, #tpu.memory_space<vmem>> -> memref<72xi32, #tpu.memory_space<vmem>>
        %dma_start3A_487 = arith.constant 0 : i32
        %dma_start3A_488 = arith.constant 0 : i32
        %dma_start3A_489 = tpu.memref_slice %arg3[%dma_start3A_487, %dma_start3A_488] : memref<100001x64xf32, #tpu.memory_space<hbm>> -> memref<100001x64xf32, #tpu.memory_space<hbm>>
        tpu.enqueue_indirect_dma source(%dma_start3A_489 : memref<100001x64xf32, #tpu.memory_space<hbm>>) target(%dma_start3A_483 : memref<72x64xf32, #tpu.memory_space<vmem>>) offsets(%dma_start3A_486 : memref<72xi32, #tpu.memory_space<vmem>>) semaphore(%arg15 : memref<!tpu.dma_semaphore, #tpu.memory_space<semaphore_mem>>)
      } else {
      }
      %mul3A_388 = arith.constant 8 : i32
      %mul3A_389 = arith.muli %scan3A_150, %mul3A_388 : i32
      %add3A_390 = arith.constant 6 : i32
      %add3A_391 = arith.addi %mul3A_389, %add3A_390 : i32
      %dma_wait3A_392 = arith.constant 0 : i32
      %dma_wait3A_393 = arith.constant 0 : i32
      %dma_wait3A_394 = arith.constant 0 : i32
      %dma_wait3A_395 = tpu.memref_slice %arg12[%dma_wait3A_393, %dma_wait3A_394] : memref<200x64xf32, #tpu.memory_space<vmem>> -> memref<128x64xf32, #tpu.memory_space<vmem>>
      %dma_wait3A_396 = arith.constant 0 : i32
      %dma_wait3A_397 = tpu.memref_slice %arg5[%dma_wait3A_392, %dma_wait3A_396] : memref<128x200xi32, #tpu.memory_space<vmem>> -> memref<1x128xi32, #tpu.memory_space<vmem>>
      %dma_wait3A_398 = tpu.memref_squeeze %dma_wait3A_397 : memref<1x128xi32, #tpu.memory_space<vmem>> -> memref<128xi32, #tpu.memory_space<vmem>>
      %dma_wait3A_399 = arith.constant 0 : i32
      %dma_wait3A_400 = arith.constant 0 : i32
      %dma_wait3A_401 = tpu.memref_slice %arg3[%dma_wait3A_399, %dma_wait3A_400] : memref<100001x64xf32, #tpu.memory_space<hbm>> -> memref<100001x64xf32, #tpu.memory_space<hbm>>
      tpu.wait_indirect_dma semaphore(%arg20 : memref<!tpu.dma_semaphore, #tpu.memory_space<semaphore_mem>>) src(%dma_wait3A_401 : memref<100001x64xf32, #tpu.memory_space<hbm>>) dst(%dma_wait3A_395 : memref<128x64xf32, #tpu.memory_space<vmem>>)
      %dma_wait3A_402 = arith.constant 0 : i32
      %dma_wait3A_403 = arith.constant 128 : i32
      %dma_wait3A_404 = arith.constant 0 : i32
      %dma_wait3A_405 = tpu.memref_slice %arg12[%dma_wait3A_403, %dma_wait3A_404] : memref<200x64xf32, #tpu.memory_space<vmem>> -> memref<72x64xf32, #tpu.memory_space<vmem>>
      %dma_wait3A_406 = arith.constant 128 : i32
      %dma_wait3A_407 = tpu.memref_slice %arg5[%dma_wait3A_402, %dma_wait3A_406] : memref<128x200xi32, #tpu.memory_space<vmem>> -> memref<1x72xi32, #tpu.memory_space<vmem>>
      %dma_wait3A_408 = tpu.memref_squeeze %dma_wait3A_407 : memref<1x72xi32, #tpu.memory_space<vmem>> -> memref<72xi32, #tpu.memory_space<vmem>>
      %dma_wait3A_409 = arith.constant 0 : i32
      %dma_wait3A_410 = arith.constant 0 : i32
      %dma_wait3A_411 = tpu.memref_slice %arg3[%dma_wait3A_409, %dma_wait3A_410] : memref<100001x64xf32, #tpu.memory_space<hbm>> -> memref<100001x64xf32, #tpu.memory_space<hbm>>
      tpu.wait_indirect_dma semaphore(%arg20 : memref<!tpu.dma_semaphore, #tpu.memory_space<semaphore_mem>>) src(%dma_wait3A_411 : memref<100001x64xf32, #tpu.memory_space<hbm>>) dst(%dma_wait3A_405 : memref<72x64xf32, #tpu.memory_space<vmem>>)
      %add3A_412 = arith.addi %mul3A_2, %add3A_391 : i32
      %dma_start3A_413 = arith.constant 0 : i32
      %dma_start3A_414 = arith.constant 0 : i32
      %dma_start3A_415 = tpu.memref_slice %arg4[%add3A_412, %dma_start3A_413, %dma_start3A_414] : memref<4096x200x64xf32, #tpu.memory_space<hbm>> -> memref<1x200x64xf32, #tpu.memory_space<hbm>>
      %dma_start3A_416 = tpu.memref_squeeze %dma_start3A_415 : memref<1x200x64xf32, #tpu.memory_space<hbm>> -> memref<200x64xf32, #tpu.memory_space<hbm>>
      %dma_start3A_417 = arith.constant 0 : i32
      %dma_start3A_418 = arith.constant 0 : i32
      %dma_start3A_419 = tpu.memref_slice %arg4[%add3A_412, %dma_start3A_417, %dma_start3A_418] : memref<4096x200x64xf32, #tpu.memory_space<hbm>> -> memref<1x200x64xf32, #tpu.memory_space<hbm>>
      %dma_start3A_420 = tpu.memref_squeeze %dma_start3A_419 : memref<1x200x64xf32, #tpu.memory_space<hbm>> -> memref<200x64xf32, #tpu.memory_space<hbm>>
      tpu.enqueue_dma source(%arg12 : memref<200x64xf32, #tpu.memory_space<vmem>>) target(%dma_start3A_420 : memref<200x64xf32, #tpu.memory_space<hbm>>) target_semaphore(%arg28 : memref<!tpu.dma_semaphore, #tpu.memory_space<semaphore_mem>>)
      %add3A_421 = arith.constant 4 : i32
      %add3A_422 = arith.addi %add3A_391, %add3A_421 : i32
      %lt3A_423 = arith.constant 128 : i32
      %lt3A_424 = arith.cmpi slt, %add3A_422, %lt3A_423 : i32
      %convert_element_type3A_425 = arith.extui %lt3A_424 : i1 to i32
      %cond3A_426 = arith.constant 0 : i32
      %cond3A_427 = arith.cmpi ne, %convert_element_type3A_425, %cond3A_426 : i32
      scf.if %cond3A_427 {
        %ge3A = arith.constant 8 : i32
        %ge3A_468 = arith.cmpi sge, %add3A_422, %ge3A : i32
        %convert_element_type3A_469 = arith.extui %ge3A_468 : i1 to i32
        %cond3A_470 = arith.constant 0 : i32
        %cond3A_471 = arith.cmpi ne, %convert_element_type3A_469, %cond3A_470 : i32
        scf.if %cond3A_471 {
          %dma_wait3A_490 = arith.constant 0 : i32
          %dma_wait3A_491 = arith.constant 0 : i32
          %dma_wait3A_492 = tpu.memref_slice %arg4[%mul3A_2, %dma_wait3A_490, %dma_wait3A_491] : memref<4096x200x64xf32, #tpu.memory_space<hbm>> -> memref<1x200x64xf32, #tpu.memory_space<hbm>>
          %dma_wait3A_493 = tpu.memref_squeeze %dma_wait3A_492 : memref<1x200x64xf32, #tpu.memory_space<hbm>> -> memref<200x64xf32, #tpu.memory_space<hbm>>
          %dma_wait3A_494 = arith.constant 0 : i32
          %dma_wait3A_495 = arith.constant 0 : i32
          %dma_wait3A_496 = tpu.memref_slice %arg4[%mul3A_2, %dma_wait3A_494, %dma_wait3A_495] : memref<4096x200x64xf32, #tpu.memory_space<hbm>> -> memref<1x200x64xf32, #tpu.memory_space<hbm>>
          %dma_wait3A_497 = tpu.memref_squeeze %dma_wait3A_496 : memref<1x200x64xf32, #tpu.memory_space<hbm>> -> memref<200x64xf32, #tpu.memory_space<hbm>>
          tpu.wait_dma2 semaphore(%arg24 : memref<!tpu.dma_semaphore, #tpu.memory_space<semaphore_mem>>) src(%arg8 : memref<200x64xf32, #tpu.memory_space<vmem>>) dst(%dma_wait3A_497 : memref<200x64xf32, #tpu.memory_space<hbm>>)
        } else {
        }
        %dma_start3A_472 = arith.constant 0 : i32
        %dma_start3A_473 = arith.constant 0 : i32
        %dma_start3A_474 = tpu.memref_slice %arg8[%dma_start3A_472, %dma_start3A_473] : memref<200x64xf32, #tpu.memory_space<vmem>> -> memref<128x64xf32, #tpu.memory_space<vmem>>
        %dma_start3A_475 = arith.constant 0 : i32
        %dma_start3A_476 = tpu.memref_slice %arg5[%add3A_422, %dma_start3A_475] : memref<128x200xi32, #tpu.memory_space<vmem>> -> memref<1x128xi32, #tpu.memory_space<vmem>>
        %dma_start3A_477 = tpu.memref_squeeze %dma_start3A_476 : memref<1x128xi32, #tpu.memory_space<vmem>> -> memref<128xi32, #tpu.memory_space<vmem>>
        %dma_start3A_478 = arith.constant 0 : i32
        %dma_start3A_479 = arith.constant 0 : i32
        %dma_start3A_480 = tpu.memref_slice %arg3[%dma_start3A_478, %dma_start3A_479] : memref<100001x64xf32, #tpu.memory_space<hbm>> -> memref<100001x64xf32, #tpu.memory_space<hbm>>
        tpu.enqueue_indirect_dma source(%dma_start3A_480 : memref<100001x64xf32, #tpu.memory_space<hbm>>) target(%dma_start3A_474 : memref<128x64xf32, #tpu.memory_space<vmem>>) offsets(%dma_start3A_477 : memref<128xi32, #tpu.memory_space<vmem>>) semaphore(%arg16 : memref<!tpu.dma_semaphore, #tpu.memory_space<semaphore_mem>>)
        %dma_start3A_481 = arith.constant 128 : i32
        %dma_start3A_482 = arith.constant 0 : i32
        %dma_start3A_483 = tpu.memref_slice %arg8[%dma_start3A_481, %dma_start3A_482] : memref<200x64xf32, #tpu.memory_space<vmem>> -> memref<72x64xf32, #tpu.memory_space<vmem>>
        %dma_start3A_484 = arith.constant 128 : i32
        %dma_start3A_485 = tpu.memref_slice %arg5[%add3A_422, %dma_start3A_484] : memref<128x200xi32, #tpu.memory_space<vmem>> -> memref<1x72xi32, #tpu.memory_space<vmem>>
        %dma_start3A_486 = tpu.memref_squeeze %dma_start3A_485 : memref<1x72xi32, #tpu.memory_space<vmem>> -> memref<72xi32, #tpu.memory_space<vmem>>
        %dma_start3A_487 = arith.constant 0 : i32
        %dma_start3A_488 = arith.constant 0 : i32
        %dma_start3A_489 = tpu.memref_slice %arg3[%dma_start3A_487, %dma_start3A_488] : memref<100001x64xf32, #tpu.memory_space<hbm>> -> memref<100001x64xf32, #tpu.memory_space<hbm>>
        tpu.enqueue_indirect_dma source(%dma_start3A_489 : memref<100001x64xf32, #tpu.memory_space<hbm>>) target(%dma_start3A_483 : memref<72x64xf32, #tpu.memory_space<vmem>>) offsets(%dma_start3A_486 : memref<72xi32, #tpu.memory_space<vmem>>) semaphore(%arg16 : memref<!tpu.dma_semaphore, #tpu.memory_space<semaphore_mem>>)
      } else {
      }
      %mul3A_428 = arith.constant 8 : i32
      %mul3A_429 = arith.muli %scan3A_150, %mul3A_428 : i32
      %add3A_430 = arith.constant 7 : i32
      %add3A_431 = arith.addi %mul3A_429, %add3A_430 : i32
      %dma_wait3A_432 = arith.constant 0 : i32
      %dma_wait3A_433 = arith.constant 0 : i32
      %dma_wait3A_434 = arith.constant 0 : i32
      %dma_wait3A_435 = tpu.memref_slice %arg13[%dma_wait3A_433, %dma_wait3A_434] : memref<200x64xf32, #tpu.memory_space<vmem>> -> memref<128x64xf32, #tpu.memory_space<vmem>>
      %dma_wait3A_436 = arith.constant 0 : i32
      %dma_wait3A_437 = tpu.memref_slice %arg5[%dma_wait3A_432, %dma_wait3A_436] : memref<128x200xi32, #tpu.memory_space<vmem>> -> memref<1x128xi32, #tpu.memory_space<vmem>>
      %dma_wait3A_438 = tpu.memref_squeeze %dma_wait3A_437 : memref<1x128xi32, #tpu.memory_space<vmem>> -> memref<128xi32, #tpu.memory_space<vmem>>
      %dma_wait3A_439 = arith.constant 0 : i32
      %dma_wait3A_440 = arith.constant 0 : i32
      %dma_wait3A_441 = tpu.memref_slice %arg3[%dma_wait3A_439, %dma_wait3A_440] : memref<100001x64xf32, #tpu.memory_space<hbm>> -> memref<100001x64xf32, #tpu.memory_space<hbm>>
      tpu.wait_indirect_dma semaphore(%arg21 : memref<!tpu.dma_semaphore, #tpu.memory_space<semaphore_mem>>) src(%dma_wait3A_441 : memref<100001x64xf32, #tpu.memory_space<hbm>>) dst(%dma_wait3A_435 : memref<128x64xf32, #tpu.memory_space<vmem>>)
      %dma_wait3A_442 = arith.constant 0 : i32
      %dma_wait3A_443 = arith.constant 128 : i32
      %dma_wait3A_444 = arith.constant 0 : i32
      %dma_wait3A_445 = tpu.memref_slice %arg13[%dma_wait3A_443, %dma_wait3A_444] : memref<200x64xf32, #tpu.memory_space<vmem>> -> memref<72x64xf32, #tpu.memory_space<vmem>>
      %dma_wait3A_446 = arith.constant 128 : i32
      %dma_wait3A_447 = tpu.memref_slice %arg5[%dma_wait3A_442, %dma_wait3A_446] : memref<128x200xi32, #tpu.memory_space<vmem>> -> memref<1x72xi32, #tpu.memory_space<vmem>>
      %dma_wait3A_448 = tpu.memref_squeeze %dma_wait3A_447 : memref<1x72xi32, #tpu.memory_space<vmem>> -> memref<72xi32, #tpu.memory_space<vmem>>
      %dma_wait3A_449 = arith.constant 0 : i32
      %dma_wait3A_450 = arith.constant 0 : i32
      %dma_wait3A_451 = tpu.memref_slice %arg3[%dma_wait3A_449, %dma_wait3A_450] : memref<100001x64xf32, #tpu.memory_space<hbm>> -> memref<100001x64xf32, #tpu.memory_space<hbm>>
      tpu.wait_indirect_dma semaphore(%arg21 : memref<!tpu.dma_semaphore, #tpu.memory_space<semaphore_mem>>) src(%dma_wait3A_451 : memref<100001x64xf32, #tpu.memory_space<hbm>>) dst(%dma_wait3A_445 : memref<72x64xf32, #tpu.memory_space<vmem>>)
      %add3A_452 = arith.addi %mul3A_2, %add3A_431 : i32
      %dma_start3A_453 = arith.constant 0 : i32
      %dma_start3A_454 = arith.constant 0 : i32
      %dma_start3A_455 = tpu.memref_slice %arg4[%add3A_452, %dma_start3A_453, %dma_start3A_454] : memref<4096x200x64xf32, #tpu.memory_space<hbm>> -> memref<1x200x64xf32, #tpu.memory_space<hbm>>
      %dma_start3A_456 = tpu.memref_squeeze %dma_start3A_455 : memref<1x200x64xf32, #tpu.memory_space<hbm>> -> memref<200x64xf32, #tpu.memory_space<hbm>>
      %dma_start3A_457 = arith.constant 0 : i32
      %dma_start3A_458 = arith.constant 0 : i32
      %dma_start3A_459 = tpu.memref_slice %arg4[%add3A_452, %dma_start3A_457, %dma_start3A_458] : memref<4096x200x64xf32, #tpu.memory_space<hbm>> -> memref<1x200x64xf32, #tpu.memory_space<hbm>>
      %dma_start3A_460 = tpu.memref_squeeze %dma_start3A_459 : memref<1x200x64xf32, #tpu.memory_space<hbm>> -> memref<200x64xf32, #tpu.memory_space<hbm>>
      tpu.enqueue_dma source(%arg13 : memref<200x64xf32, #tpu.memory_space<vmem>>) target(%dma_start3A_460 : memref<200x64xf32, #tpu.memory_space<hbm>>) target_semaphore(%arg29 : memref<!tpu.dma_semaphore, #tpu.memory_space<semaphore_mem>>)
      %add3A_461 = arith.constant 4 : i32
      %add3A_462 = arith.addi %add3A_431, %add3A_461 : i32
      %lt3A_463 = arith.constant 128 : i32
      %lt3A_464 = arith.cmpi slt, %add3A_462, %lt3A_463 : i32
      %convert_element_type3A_465 = arith.extui %lt3A_464 : i1 to i32
      %cond3A_466 = arith.constant 0 : i32
      %cond3A_467 = arith.cmpi ne, %convert_element_type3A_465, %cond3A_466 : i32
      scf.if %cond3A_467 {
        %ge3A = arith.constant 8 : i32
        %ge3A_468 = arith.cmpi sge, %add3A_462, %ge3A : i32
        %convert_element_type3A_469 = arith.extui %ge3A_468 : i1 to i32
        %cond3A_470 = arith.constant 0 : i32
        %cond3A_471 = arith.cmpi ne, %convert_element_type3A_469, %cond3A_470 : i32
        scf.if %cond3A_471 {
          %dma_wait3A_490 = arith.constant 0 : i32
          %dma_wait3A_491 = arith.constant 0 : i32
          %dma_wait3A_492 = tpu.memref_slice %arg4[%mul3A_2, %dma_wait3A_490, %dma_wait3A_491] : memref<4096x200x64xf32, #tpu.memory_space<hbm>> -> memref<1x200x64xf32, #tpu.memory_space<hbm>>
          %dma_wait3A_493 = tpu.memref_squeeze %dma_wait3A_492 : memref<1x200x64xf32, #tpu.memory_space<hbm>> -> memref<200x64xf32, #tpu.memory_space<hbm>>
          %dma_wait3A_494 = arith.constant 0 : i32
          %dma_wait3A_495 = arith.constant 0 : i32
          %dma_wait3A_496 = tpu.memref_slice %arg4[%mul3A_2, %dma_wait3A_494, %dma_wait3A_495] : memref<4096x200x64xf32, #tpu.memory_space<hbm>> -> memref<1x200x64xf32, #tpu.memory_space<hbm>>
          %dma_wait3A_497 = tpu.memref_squeeze %dma_wait3A_496 : memref<1x200x64xf32, #tpu.memory_space<hbm>> -> memref<200x64xf32, #tpu.memory_space<hbm>>
          tpu.wait_dma2 semaphore(%arg25 : memref<!tpu.dma_semaphore, #tpu.memory_space<semaphore_mem>>) src(%arg9 : memref<200x64xf32, #tpu.memory_space<vmem>>) dst(%dma_wait3A_497 : memref<200x64xf32, #tpu.memory_space<hbm>>)
        } else {
        }
        %dma_start3A_472 = arith.constant 0 : i32
        %dma_start3A_473 = arith.constant 0 : i32
        %dma_start3A_474 = tpu.memref_slice %arg9[%dma_start3A_472, %dma_start3A_473] : memref<200x64xf32, #tpu.memory_space<vmem>> -> memref<128x64xf32, #tpu.memory_space<vmem>>
        %dma_start3A_475 = arith.constant 0 : i32
        %dma_start3A_476 = tpu.memref_slice %arg5[%add3A_462, %dma_start3A_475] : memref<128x200xi32, #tpu.memory_space<vmem>> -> memref<1x128xi32, #tpu.memory_space<vmem>>
        %dma_start3A_477 = tpu.memref_squeeze %dma_start3A_476 : memref<1x128xi32, #tpu.memory_space<vmem>> -> memref<128xi32, #tpu.memory_space<vmem>>
        %dma_start3A_478 = arith.constant 0 : i32
        %dma_start3A_479 = arith.constant 0 : i32
        %dma_start3A_480 = tpu.memref_slice %arg3[%dma_start3A_478, %dma_start3A_479] : memref<100001x64xf32, #tpu.memory_space<hbm>> -> memref<100001x64xf32, #tpu.memory_space<hbm>>
        tpu.enqueue_indirect_dma source(%dma_start3A_480 : memref<100001x64xf32, #tpu.memory_space<hbm>>) target(%dma_start3A_474 : memref<128x64xf32, #tpu.memory_space<vmem>>) offsets(%dma_start3A_477 : memref<128xi32, #tpu.memory_space<vmem>>) semaphore(%arg17 : memref<!tpu.dma_semaphore, #tpu.memory_space<semaphore_mem>>)
        %dma_start3A_481 = arith.constant 128 : i32
        %dma_start3A_482 = arith.constant 0 : i32
        %dma_start3A_483 = tpu.memref_slice %arg9[%dma_start3A_481, %dma_start3A_482] : memref<200x64xf32, #tpu.memory_space<vmem>> -> memref<72x64xf32, #tpu.memory_space<vmem>>
        %dma_start3A_484 = arith.constant 128 : i32
        %dma_start3A_485 = tpu.memref_slice %arg5[%add3A_462, %dma_start3A_484] : memref<128x200xi32, #tpu.memory_space<vmem>> -> memref<1x72xi32, #tpu.memory_space<vmem>>
        %dma_start3A_486 = tpu.memref_squeeze %dma_start3A_485 : memref<1x72xi32, #tpu.memory_space<vmem>> -> memref<72xi32, #tpu.memory_space<vmem>>
        %dma_start3A_487 = arith.constant 0 : i32
        %dma_start3A_488 = arith.constant 0 : i32
        %dma_start3A_489 = tpu.memref_slice %arg3[%dma_start3A_487, %dma_start3A_488] : memref<100001x64xf32, #tpu.memory_space<hbm>> -> memref<100001x64xf32, #tpu.memory_space<hbm>>
        tpu.enqueue_indirect_dma source(%dma_start3A_489 : memref<100001x64xf32, #tpu.memory_space<hbm>>) target(%dma_start3A_483 : memref<72x64xf32, #tpu.memory_space<vmem>>) offsets(%dma_start3A_486 : memref<72xi32, #tpu.memory_space<vmem>>) semaphore(%arg17 : memref<!tpu.dma_semaphore, #tpu.memory_space<semaphore_mem>>)
      } else {
      }
    }
    %scan3A_86 = arith.constant 16 : i32
    %dma_wait3A = arith.constant 0 : i32
    %dma_wait3A_87 = arith.constant 0 : i32
    %dma_wait3A_88 = tpu.memref_slice %arg4[%mul3A_2, %dma_wait3A, %dma_wait3A_87] : memref<4096x200x64xf32, #tpu.memory_space<hbm>> -> memref<1x200x64xf32, #tpu.memory_space<hbm>>
    %dma_wait3A_89 = tpu.memref_squeeze %dma_wait3A_88 : memref<1x200x64xf32, #tpu.memory_space<hbm>> -> memref<200x64xf32, #tpu.memory_space<hbm>>
    %dma_wait3A_90 = arith.constant 0 : i32
    %dma_wait3A_91 = arith.constant 0 : i32
    %dma_wait3A_92 = tpu.memref_slice %arg4[%mul3A_2, %dma_wait3A_90, %dma_wait3A_91] : memref<4096x200x64xf32, #tpu.memory_space<hbm>> -> memref<1x200x64xf32, #tpu.memory_space<hbm>>
    %dma_wait3A_93 = tpu.memref_squeeze %dma_wait3A_92 : memref<1x200x64xf32, #tpu.memory_space<hbm>> -> memref<200x64xf32, #tpu.memory_space<hbm>>
    tpu.wait_dma2 semaphore(%arg22 : memref<!tpu.dma_semaphore, #tpu.memory_space<semaphore_mem>>) src(%arg6 : memref<200x64xf32, #tpu.memory_space<vmem>>) dst(%dma_wait3A_93 : memref<200x64xf32, #tpu.memory_space<hbm>>)
    %dma_wait3A_94 = arith.constant 0 : i32
    %dma_wait3A_95 = arith.constant 0 : i32
    %dma_wait3A_96 = tpu.memref_slice %arg4[%mul3A_2, %dma_wait3A_94, %dma_wait3A_95] : memref<4096x200x64xf32, #tpu.memory_space<hbm>> -> memref<1x200x64xf32, #tpu.memory_space<hbm>>
    %dma_wait3A_97 = tpu.memref_squeeze %dma_wait3A_96 : memref<1x200x64xf32, #tpu.memory_space<hbm>> -> memref<200x64xf32, #tpu.memory_space<hbm>>
    %dma_wait3A_98 = arith.constant 0 : i32
    %dma_wait3A_99 = arith.constant 0 : i32
    %dma_wait3A_100 = tpu.memref_slice %arg4[%mul3A_2, %dma_wait3A_98, %dma_wait3A_99] : memref<4096x200x64xf32, #tpu.memory_space<hbm>> -> memref<1x200x64xf32, #tpu.memory_space<hbm>>
    %dma_wait3A_101 = tpu.memref_squeeze %dma_wait3A_100 : memref<1x200x64xf32, #tpu.memory_space<hbm>> -> memref<200x64xf32, #tpu.memory_space<hbm>>
    tpu.wait_dma2 semaphore(%arg23 : memref<!tpu.dma_semaphore, #tpu.memory_space<semaphore_mem>>) src(%arg7 : memref<200x64xf32, #tpu.memory_space<vmem>>) dst(%dma_wait3A_101 : memref<200x64xf32, #tpu.memory_space<hbm>>)
    %dma_wait3A_102 = arith.constant 0 : i32
    %dma_wait3A_103 = arith.constant 0 : i32
    %dma_wait3A_104 = tpu.memref_slice %arg4[%mul3A_2, %dma_wait3A_102, %dma_wait3A_103] : memref<4096x200x64xf32, #tpu.memory_space<hbm>> -> memref<1x200x64xf32, #tpu.memory_space<hbm>>
    %dma_wait3A_105 = tpu.memref_squeeze %dma_wait3A_104 : memref<1x200x64xf32, #tpu.memory_space<hbm>> -> memref<200x64xf32, #tpu.memory_space<hbm>>
    %dma_wait3A_106 = arith.constant 0 : i32
    %dma_wait3A_107 = arith.constant 0 : i32
    %dma_wait3A_108 = tpu.memref_slice %arg4[%mul3A_2, %dma_wait3A_106, %dma_wait3A_107] : memref<4096x200x64xf32, #tpu.memory_space<hbm>> -> memref<1x200x64xf32, #tpu.memory_space<hbm>>
    %dma_wait3A_109 = tpu.memref_squeeze %dma_wait3A_108 : memref<1x200x64xf32, #tpu.memory_space<hbm>> -> memref<200x64xf32, #tpu.memory_space<hbm>>
    tpu.wait_dma2 semaphore(%arg24 : memref<!tpu.dma_semaphore, #tpu.memory_space<semaphore_mem>>) src(%arg8 : memref<200x64xf32, #tpu.memory_space<vmem>>) dst(%dma_wait3A_109 : memref<200x64xf32, #tpu.memory_space<hbm>>)
    %dma_wait3A_110 = arith.constant 0 : i32
    %dma_wait3A_111 = arith.constant 0 : i32
    %dma_wait3A_112 = tpu.memref_slice %arg4[%mul3A_2, %dma_wait3A_110, %dma_wait3A_111] : memref<4096x200x64xf32, #tpu.memory_space<hbm>> -> memref<1x200x64xf32, #tpu.memory_space<hbm>>
    %dma_wait3A_113 = tpu.memref_squeeze %dma_wait3A_112 : memref<1x200x64xf32, #tpu.memory_space<hbm>> -> memref<200x64xf32, #tpu.memory_space<hbm>>
    %dma_wait3A_114 = arith.constant 0 : i32
    %dma_wait3A_115 = arith.constant 0 : i32
    %dma_wait3A_116 = tpu.memref_slice %arg4[%mul3A_2, %dma_wait3A_114, %dma_wait3A_115] : memref<4096x200x64xf32, #tpu.memory_space<hbm>> -> memref<1x200x64xf32, #tpu.memory_space<hbm>>
    %dma_wait3A_117 = tpu.memref_squeeze %dma_wait3A_116 : memref<1x200x64xf32, #tpu.memory_space<hbm>> -> memref<200x64xf32, #tpu.memory_space<hbm>>
    tpu.wait_dma2 semaphore(%arg25 : memref<!tpu.dma_semaphore, #tpu.memory_space<semaphore_mem>>) src(%arg9 : memref<200x64xf32, #tpu.memory_space<vmem>>) dst(%dma_wait3A_117 : memref<200x64xf32, #tpu.memory_space<hbm>>)
    %dma_wait3A_118 = arith.constant 0 : i32
    %dma_wait3A_119 = arith.constant 0 : i32
    %dma_wait3A_120 = tpu.memref_slice %arg4[%mul3A_2, %dma_wait3A_118, %dma_wait3A_119] : memref<4096x200x64xf32, #tpu.memory_space<hbm>> -> memref<1x200x64xf32, #tpu.memory_space<hbm>>
    %dma_wait3A_121 = tpu.memref_squeeze %dma_wait3A_120 : memref<1x200x64xf32, #tpu.memory_space<hbm>> -> memref<200x64xf32, #tpu.memory_space<hbm>>
    %dma_wait3A_122 = arith.constant 0 : i32
    %dma_wait3A_123 = arith.constant 0 : i32
    %dma_wait3A_124 = tpu.memref_slice %arg4[%mul3A_2, %dma_wait3A_122, %dma_wait3A_123] : memref<4096x200x64xf32, #tpu.memory_space<hbm>> -> memref<1x200x64xf32, #tpu.memory_space<hbm>>
    %dma_wait3A_125 = tpu.memref_squeeze %dma_wait3A_124 : memref<1x200x64xf32, #tpu.memory_space<hbm>> -> memref<200x64xf32, #tpu.memory_space<hbm>>
    tpu.wait_dma2 semaphore(%arg26 : memref<!tpu.dma_semaphore, #tpu.memory_space<semaphore_mem>>) src(%arg10 : memref<200x64xf32, #tpu.memory_space<vmem>>) dst(%dma_wait3A_125 : memref<200x64xf32, #tpu.memory_space<hbm>>)
    %dma_wait3A_126 = arith.constant 0 : i32
    %dma_wait3A_127 = arith.constant 0 : i32
    %dma_wait3A_128 = tpu.memref_slice %arg4[%mul3A_2, %dma_wait3A_126, %dma_wait3A_127] : memref<4096x200x64xf32, #tpu.memory_space<hbm>> -> memref<1x200x64xf32, #tpu.memory_space<hbm>>
    %dma_wait3A_129 = tpu.memref_squeeze %dma_wait3A_128 : memref<1x200x64xf32, #tpu.memory_space<hbm>> -> memref<200x64xf32, #tpu.memory_space<hbm>>
    %dma_wait3A_130 = arith.constant 0 : i32
    %dma_wait3A_131 = arith.constant 0 : i32
    %dma_wait3A_132 = tpu.memref_slice %arg4[%mul3A_2, %dma_wait3A_130, %dma_wait3A_131] : memref<4096x200x64xf32, #tpu.memory_space<hbm>> -> memref<1x200x64xf32, #tpu.memory_space<hbm>>
    %dma_wait3A_133 = tpu.memref_squeeze %dma_wait3A_132 : memref<1x200x64xf32, #tpu.memory_space<hbm>> -> memref<200x64xf32, #tpu.memory_space<hbm>>
    tpu.wait_dma2 semaphore(%arg27 : memref<!tpu.dma_semaphore, #tpu.memory_space<semaphore_mem>>) src(%arg11 : memref<200x64xf32, #tpu.memory_space<vmem>>) dst(%dma_wait3A_133 : memref<200x64xf32, #tpu.memory_space<hbm>>)
    %dma_wait3A_134 = arith.constant 0 : i32
    %dma_wait3A_135 = arith.constant 0 : i32
    %dma_wait3A_136 = tpu.memref_slice %arg4[%mul3A_2, %dma_wait3A_134, %dma_wait3A_135] : memref<4096x200x64xf32, #tpu.memory_space<hbm>> -> memref<1x200x64xf32, #tpu.memory_space<hbm>>
    %dma_wait3A_137 = tpu.memref_squeeze %dma_wait3A_136 : memref<1x200x64xf32, #tpu.memory_space<hbm>> -> memref<200x64xf32, #tpu.memory_space<hbm>>
    %dma_wait3A_138 = arith.constant 0 : i32
    %dma_wait3A_139 = arith.constant 0 : i32
    %dma_wait3A_140 = tpu.memref_slice %arg4[%mul3A_2, %dma_wait3A_138, %dma_wait3A_139] : memref<4096x200x64xf32, #tpu.memory_space<hbm>> -> memref<1x200x64xf32, #tpu.memory_space<hbm>>
    %dma_wait3A_141 = tpu.memref_squeeze %dma_wait3A_140 : memref<1x200x64xf32, #tpu.memory_space<hbm>> -> memref<200x64xf32, #tpu.memory_space<hbm>>
    tpu.wait_dma2 semaphore(%arg28 : memref<!tpu.dma_semaphore, #tpu.memory_space<semaphore_mem>>) src(%arg12 : memref<200x64xf32, #tpu.memory_space<vmem>>) dst(%dma_wait3A_141 : memref<200x64xf32, #tpu.memory_space<hbm>>)
    %dma_wait3A_142 = arith.constant 0 : i32
    %dma_wait3A_143 = arith.constant 0 : i32
    %dma_wait3A_144 = tpu.memref_slice %arg4[%mul3A_2, %dma_wait3A_142, %dma_wait3A_143] : memref<4096x200x64xf32, #tpu.memory_space<hbm>> -> memref<1x200x64xf32, #tpu.memory_space<hbm>>
    %dma_wait3A_145 = tpu.memref_squeeze %dma_wait3A_144 : memref<1x200x64xf32, #tpu.memory_space<hbm>> -> memref<200x64xf32, #tpu.memory_space<hbm>>
    %dma_wait3A_146 = arith.constant 0 : i32
    %dma_wait3A_147 = arith.constant 0 : i32
    %dma_wait3A_148 = tpu.memref_slice %arg4[%mul3A_2, %dma_wait3A_146, %dma_wait3A_147] : memref<4096x200x64xf32, #tpu.memory_space<hbm>> -> memref<1x200x64xf32, #tpu.memory_space<hbm>>
    %dma_wait3A_149 = tpu.memref_squeeze %dma_wait3A_148 : memref<1x200x64xf32, #tpu.memory_space<hbm>> -> memref<200x64xf32, #tpu.memory_space<hbm>>
    tpu.wait_dma2 semaphore(%arg29 : memref<!tpu.dma_semaphore, #tpu.memory_space<semaphore_mem>>) src(%arg13 : memref<200x64xf32, #tpu.memory_space<vmem>>) dst(%dma_wait3A_149 : memref<200x64xf32, #tpu.memory_space<hbm>>)
    return
  }
}

</mosaic_0001>

<sc_bundles>
// kernel: kernel.3.cloned.1.call-start
scs
__scs_entry_jumppad:
0x0: {  	(pc) =	sbr.rel $0x88, $3  }
0x1: {  	(tag) =	ssettag $0x0;
	lr =	simm.s32 $0x1  }
0x2: {  	[smem:$0x3F9F] =	sst lr;
	_ =	strace $0xD0000000  }
0x3: {  	_ = 	snop  }
0x4: {  	_ = 	snop  }
0x5: {  	_ = 	snop  }
0x6: {  	_ = 	snop  }
0x7: {  	_ = 	snop  }
__scs_overlays_trampoline_lowered:
0x8: {  	[smem:$0x3FAE] =	sst s0  }
0x9: {  	[smem:$0x3FAF] =	sst s1  }
0xa: {  	[smem:$0x3FB0] =	sst s2  }
0xb: {  	[smem:$0x3FB1] =	sst s3  }
0xc: {  	[smem:$0x3FB2] =	sst s4  }
0xd: {  	[smem:$0x3FB3] =	sst s5  }
0xe: {  	[smem:$0x3FB4] =	sst s6  }
0xf: {  	[smem:$0x3FB5] =	sst s7  }
0x10: {  	[smem:$0x3FB6] =	sst s8  }
0x11: {  	[smem:$0x3FB7] =	sst s9;
	s0 =	simm.s32 @!p0 $0x0  }
0x12: {  	s1 =	sld [smem:$0x3F9D];
	s0 =	simm.s32 @p0 $0x1  }
0x13: {  	[smem:$0x3FB8] =	sst s0;
	s0 =	simm.s32 @!p1 $0x0  }
0x14: {  	s2 =	sld [smem:$0x3F9C];
	s0 =	simm.s32 @p1 $0x1  }
0x15: {  	[smem:$0x3FB9] =	sst s0;
	s0 =	simm.s32 @!p2 $0x0  }
0x16: {  	s3 =	sld [smem:$0x3FDB];
	s0 =	simm.s32 @p2 $0x1  }
0x17: {  	s4 =	simm.s32 $0x1BF5;
	[smem:$0x3FBB] =	sst s0  }
0x18: {  	s0 =	sld [smem:$0x3F9E];
	_ =	swait.ge [sflag:s4], $0x0  }
0x19: {  	s7 =	sld [smem:$0x3F9F]  }
0x1a: {  	s8 =	sadd.s32 $0xFFFFE003, lr  }
0x1b: {  	s9 =	sadd.s32 $0xFFFFFEF7, lr;
	s5 =	simm.s32 $0xFFFFFFFF;
	p2 =	slt.u32 s8, $0xFFFFF086  }
0x1c: {  	p1 =	slt.u32 s9, $0xF7A;
	s5 =	simm.s32 @!p2 $0x0  }
0x1d: {  	s5 =	simm.s32 @p1 $0x1;
	p0 =	seq.s32 s7, s2  }
0x1e: {  	s7 =	smul.u32 @!p0 $0xF7A, s2;
	p2 =	seq.s32 @!p0 s5, $0x0  }
0x1f: {  	s9 =	smul.u32 $0xF7A, s1;
	s8 =	simm.s32 @!p0 $0x1BF5;
	p2 =	por !p2, p0  }
0x20: {  	[sflag:s8] =	ssyncset.s32 @!p0 $0xFFFFF086;
	s6 =	sadd.s32 @!p0 s3, s7;
	s7 =	simm.s32 @!p0 $0x108  }
0x21: {  	s3 =	sadd.s32 s3, s9;
	s6 =	sadd.s32 @!p0 $0x88, s6;
	s7 =	simm.s32 @p2 $0x1082  }
0x22: {  	[simem:s7], [sflag:s8] =	dma.local @!p0 [hbm:s6], $0xF7A  }
0x23: {  	s9 =	sor.u32 $0xD0000000, s2;
	s6 =	simm.s32 $0x108;
	_ =	swait.ge @!p0 [sflag:s8], $0x0  }
0x24: {  	s3 =	sadd.s32 $0x88, s3;
	s6 =	simm.s32 @!p1 $0x1082;
	[sflag:s4] =	ssyncset.s32 $0xFFFFF086  }
0x25: {  	[simem:s6], [sflag:s4] =	dma.local [hbm:s3], $0xF7A  }
0x26: {  	[smem:$0x3F9F] =	sst s1;
	(tag) =	ssettag s2;
	_ =	strace s9  }
0x27: {  	s1 =	sld [smem:$0x3FAF]  }
0x28: {  	s2 =	sld [smem:$0x3FB0]  }
0x29: {  	s4 =	sld [smem:$0x3FB2]  }
0x2a: {  	p0 =	seq.s32 s5, $0x0;
	s5 =	sld [smem:$0x3FB3]  }
0x2b: {  	s6 =	sld [smem:$0x3FB4]  }
0x2c: {  	s7 =	sld [smem:$0x3FB5]  }
0x2d: {  	s3 =	simm.s32 $0x108;
	s8 =	sld [smem:$0x3FB6]  }
0x2e: {  	s3 =	simm.s32 @!p0 $0x1082;
	s9 =	sld [smem:$0x3FB7]  }
0x2f: {  	lr =	sadd.s32 s0, s3;
	s0 =	sld [smem:$0x3FAE]  }
0x30: {  	s3 =	sld [smem:$0x3FB1]  }
0x31: {  	[smem:$0x3FBA] =	sst s10  }
0x32: {  	s10 =	sld [smem:$0x3FB8];
	_ =	sdelay $0x3  }
0x33: {  	p0 =	seq.s32 s10, $0x1;
	s10 =	sld [smem:$0x3FBA];
	_ =	sdelay $0x3  }
0x34: {  	[smem:$0x3FBA] =	sst s10  }
0x35: {  	s10 =	sld [smem:$0x3FB9];
	_ =	sdelay $0x3  }
0x36: {  	p1 =	seq.s32 s10, $0x1;
	s10 =	sld [smem:$0x3FBA];
	_ =	sdelay $0x3  }
0x37: {  	[smem:$0x3FBA] =	sst s10  }
0x38: {  	s10 =	sld [smem:$0x3FBB]  }
0x39: {  	_ = 	snop;
	(pc) =	sbr.ind lr, $3  }
0x3a: {  	_ = 	snop  }
0x3b: {  	_ = 	snop  }
0x3c: {  	p2 =	seq.s32 s10, $0x1;
	s10 =	sld [smem:$0x3FBA]  }
0x3d: {  	_ =	shalt  }
0x3e: {  	_ =	shalt  }
0x3f: {  	_ =	shalt  }
0x40: {  	_ =	shalt  }
0x41: {  	_ =	shalt  }
0x42: {  	_ =	shalt  }
0x43: {  	_ =	shalt  }
0x44: {  	_ =	shalt  }
0x45: {  	_ =	shalt  }
0x46: {  	_ =	shalt  }
0x47: {  	_ =	shalt  }
0x48: {  	_ =	shalt  }
0x49: {  	_ =	shalt  }
0x4a: {  	_ =	shalt  }
0x4b: {  	_ =	shalt  }
0x4c: {  	_ =	shalt  }
0x4d: {  	_ =	shalt  }
0x4e: {  	_ =	shalt  }
0x4f: {  	_ =	shalt  }
0x50: {  	_ =	shalt  }
0x51: {  	_ =	shalt  }
0x52: {  	_ =	shalt  }
0x53: {  	_ =	shalt  }
0x54: {  	_ =	shalt  }
0x55: {  	_ =	shalt  }
0x56: {  	_ =	shalt  }
0x57: {  	_ =	shalt  }
0x58: {  	_ =	shalt  }
0x59: {  	_ =	shalt  }
0x5a: {  	_ =	shalt  }
0x5b: {  	_ =	shalt  }
0x5c: {  	_ =	shalt  }
0x5d: {  	_ =	shalt  }
0x5e: {  	_ =	shalt  }
0x5f: {  	_ =	shalt  }
0x60: {  	_ =	shalt  }
0x61: {  	_ =	shalt  }
0x62: {  	_ =	shalt  }
0x63: {  	_ =	shalt  }
0x64: {  	_ =	shalt  }
0x65: {  	_ =	shalt  }
0x66: {  	_ =	shalt  }
0x67: {  	_ =	shalt  }
0x68: {  	_ =	shalt  }
0x69: {  	_ =	shalt  }
0x6a: {  	_ =	shalt  }
0x6b: {  	_ =	shalt  }
0x6c: {  	_ =	shalt  }
0x6d: {  	_ =	shalt  }
0x6e: {  	_ =	shalt  }
0x6f: {  	_ =	shalt  }
0x70: {  	_ =	shalt  }
0x71: {  	_ =	shalt  }
0x72: {  	_ =	shalt  }
0x73: {  	_ =	shalt  }
0x74: {  	_ =	shalt  }
0x75: {  	_ =	shalt  }
0x76: {  	_ =	shalt  }
0x77: {  	_ =	shalt  }
0x78: {  	_ =	shalt  }
0x79: {  	_ =	shalt  }
0x7a: {  	_ =	shalt  }
0x7b: {  	_ =	shalt  }
0x7c: {  	_ =	shalt  }
0x7d: {  	_ =	shalt  }
0x7e: {  	_ =	shalt  }
0x7f: {  	_ =	shalt  }
0x80: {  	_ =	shalt  }
0x81: {  	_ =	shalt  }
0x82: {  	_ =	shalt  }
0x83: {  	_ =	shalt  }
0x84: {  	_ =	shalt  }
0x85: {  	_ =	shalt  }
0x86: {  	_ =	shalt  }
0x87: {  	_ =	shalt  }
.Lfunc_end0:
.L_simem_size_0:
called_computation.1_lowered:
.L_overlay_start_0:
0x88: {  	s2 =	sld [smem:$0x3FD9]  }
0x89: {  	s3 =	sld [smem:$0x3FFE];
	_ =	sdelay $0x1  }
0x8a: {  	s1 =	srdreg.scid  }
0x8b: {  	s0 =	sand.u32 $0x1, s1  }
0x8c: {  	s17 =	sshll.u32 s0, $0xA;
	s2 =	sadd.s32 s3, s2  }
0x8d: {  	s2 =	sadd.s32 s2, s17  }
0x8e: {  	[smem:$0x3FC6] =	sst s2  }
0x8f: {  	_ = 	snop  }
0x90: {  	s2 =	sld [smem:$0x3FD0];
	(tm) =	ssettm $0x1  }
0x91: {  	s18 =	sld [smem:$0x3FFB];
	_ =	sdelay $0x3  }
0x92: {  	_ =	strace s18  }
0x93: {  	s3 =	sld [smem:$0x3FFC];
	_ =	sdelay $0x3  }
0x94: {  	_ =	strace s3  }
0x95: {  	s3 =	sld [smem:$0x3FFD];
	_ =	sdelay $0x3  }
0x96: {  	_ =	strace s3  }
0x97: {  	_ =	strace $0x8FFFFFFF  }
0x98: {  	s19 =	sld [smem:$0x3FDB];
	_ =	sdelay $0x1  }
0x99: {  	s4 =	simm.s32 $_scs_section_size  }
0x9a: {  	s5 =	simm.s32 $_size__tile_overlayer_lowered;
	s6 =	simm.s32 $_tile_overlayer_lowered  }
0x9b: {  	s22 =	simm.s32 $0x1BFF;
	s21 =	sshll.u32 s6, $0x1;
	s3 =	sadd.s32 s4, s19  }
0x9c: {  	s7 =	simm.s32 $0x0;
	s20 =	sshll.u32 s5, $0x1;
	s5 =	sadd.s32 s21, s3  }
0x9d: {  	[timem:s7], [sflag:s22] =	dma.local [hbm:s5], s20  }
0x9e: {  	_ =	swait.ge [sflag:s22], s20  }
0x9f: {  	s4 =	ssub.s32 $0x0, s20;
	[sflag:s22] =	ssyncset.done $0x0  }
0xa0: {  	[sflag:s22] =	ssyncadd.s32 s4;
	_ =	sdelay $0x1  }
0xa1: {  	s23 =	simm.s32 $0x1B8B  }
0xa2: {  	_ =	swait.ge [sflag:s23], $0x1  }
0xa3: {  	[sflag:s23] =	ssyncset.done $0x0  }
0xa4: {  	s25 =	simm.s32 $0x1B8E;
	s24 =	sld [smem:$0x3FFE];
	[sflag:s23] =	ssyncadd.s32 $0xFFFFFFFF  }
0xa5: {  	s26 =	simm.s32 $execute0_lowered;
	[smem:$0x3FD2] =	sst s25  }
0xa6: {  	s5 =	sshll.u32 s26, $0x1;
	_ =	strace $0x80000046;
	[dreg:$0x1] =	wrdreg $0xFFFFFFFF  }
0xa7: {  	s28 =	simm.s32 $_size_execute0_lowered;
	s3 =	sadd.s32 s3, s5;
	[dreg:$0x0] =	wrdreg $0x0  }
0xa8: {  	s5 =	sshll.u32 s28, $0x1;
	[dreg:$0x2] =	wrdreg s3  }
0xa9: {  	[dreg:$0x3] =	wrdreg s5  }
0xaa: {  	[dreg:$0x4] =	wrdreg $0xC0  }
0xab: {  	_ =	task [dreg:s7], $0x5FFFF  }
0xac: {  	[dreg:$0x1] =	wrdreg $0xFFFFFFFF  }
0xad: {  	[dreg:$0x0] =	wrdreg $0x60  }
0xae: {  	[dreg:$0x2] =	wrdreg s24  }
0xaf: {  	[dreg:$0x3] =	wrdreg s2  }
0xb0: {  	[dreg:$0x4] =	wrdreg $0x9  }
0xb1: {  	_ =	task.clear_ibuf [dreg:s7], $0x5FFFF;
	_ =	strace $0x90000046  }
0xb2: {  	s29 =	simm.s32 $0x9;
	_ =	strace $0x80000048  }
0xb3: {  	_ =	swait.ge [sflag:s29], $0x1  }
0xb4: {  	[sflag:s29] =	ssyncadd.s32 $0xFFFFFFFF  }
0xb5: {  	_ =	strace $0x90000048  }
0xb6: {  	_ =	sfence  }
0xb7: {  	s30 =	sld [smem:$0x0];
	_ =	sdelay $0x2  }
0xb8: {  	s31 =	sshll.u32 s1, $0xD;
	s1 =	sshrl.u32 s1, $0x2  }
0xb9: {  	s3 =	sand.u32 $0x4000, s31;
	s1 =	sadd.s32 s1, s30  }
0xba: {  	s0 =	sor.u32 s3, s0;
	s1 =	sshll.u32 s1, $0x11  }
0xbb: {  	s0 =	sor.u32 s1, s0  }
0xbc: {  	s0 =	sadd.s32 $0x8F2B, s0  }
0xbd: {  	[sflag:s0] =	ssyncadd.remote.s32 $0x1  }
0xbe: {  	_ =	sfence.sel $0xFFFF  }
0xbf: {  	[dreg:$0x0] =	wrdreg $0xFFFFFFFF;
	(pc) =	sbr.abs _section_cstart, $3  }
0xc0: {  	[dreg:$0x1] =	wrdreg $0xFFFFFFFF  }
0xc1: {  	_ =	task.clear_ibuf [dreg:s7], $0x2FFFF;
	_ =	strace $0x9FFFFFFF  }
0xc2: {  	(tm) =	ssettm $0x7FFFFFFF  }
0xc3: {  	_ =	shalt  }
tec
execute0_lowered:
.L_overlay_start_1:
0x0: {  	(tag) =	ssettag $0x1  }
0x1: {  	s0 =	srdreg.scid;
	s1 =	rddreg [dreg:$0x0]  }
0x2: {  	s6 =	stileid.u32;
	s4 =	rddreg [dreg:$0x1]  }
0x3: {  	s2 =	simm.s32 $0x0;
	s10 =	simm.s32 $0x48;
	s17 =	simm.s32 $0xC800  }
0x4: {  	s21 =	simm.s32 $0xFA00;
	s28 =	simm.s32 $0x2;
	s29 =	simm.s32 $0x15E00  }
0x5: {  	s30 =	simm.s32 $0x17E00;
	s31 =	simm.s32 $0x3;
	s11 =	simm.s32 $0x4  }
0x6: {  	s12 =	simm.s32 $0x1C200;
	s14 =	simm.s32 $0x1E200;
	s15 =	simm.s32 $0x5  }
0x7: {  	s16 =	simm.s32 $0x6;
	s18 =	simm.s32 $0x7;
	s19 =	simm.s32 $0x8  }
0x8: {  	s0 =	sand.u32 $0x1, s0;
	s3 =	sshll.u32 s6, $0x8;
	[smem:$0x7FF] =	sst s2  }
0x9: {  	s6 =	smul.u32 $0x64000, s6;
	s5 =	sshll.u32 s0, $0x7;
	_ =	strace $0x80000047  }
0xa: {  	s24 =	ssub.s32 $0x2, s0;
	s0 =	smul.u32 $0x32000, s0;
	s3 =	sor.u32 s5, s3  }
0xb: {  	s8 =	sshrl.u32 s24, $0x1;
	s4 =	sadd.s32 s6, s4;
	s5 =	simm.s32 $0xC  }
0xc: {  	s3 =	smul.u32 $0x19, s3;
	s25 =	ssub.s32 s24, s8;
	s0 =	sadd.s32 s0, s4  }
.Ltmp0:
0xd: {  	s8 =	simm.s32 $0x80;
	s24 =	simm.s32 $0x1;
	(pc) =	sbr.rel .LBB2_1-.Ltmp0, $4  }
0xe: {  	[dreg:$0x5] =	wrdreg s0;
	s0 =	simm.s32 $0x1B000;
	s7 =	sadd.s32 s3, s1  }
0xf: {  	s3 =	sadd.s32 $0x19800, s1;
	s1 =	smax.u32 s25, $0x1;
	s25 =	simm.s32 $0x12C00  }
0x10: {  	s26 =	sadd.s32 $0x800, s7;
	[dreg:$0x4] =	wrdreg s1;
	s1 =	simm.s32 $0x19000  }
0x11: {  	s7 =	simm.s32 $0x0;
	[dreg:$0x3] =	wrdreg s26;
	s26 =	simm.s32 $0x14C00  }
.LBB2_4:
0x12: {  	s4 =	simm.s32 $0x9  }
0x13: {  	_ =	swait.ge [sflag:s4], $0x3200  }
0x14: {  	[sflag:s4] =	ssyncset.done $0x0  }
0x15: {  	s7 =	simm.s32 $0xA;
	[sflag:s4] =	ssyncadd.s32 $0xFFFFCE00  }
0x16: {  	_ =	swait.ge [sflag:s7], $0x3200  }
0x17: {  	[sflag:s7] =	ssyncset.done $0x0  }
0x18: {  	s9 =	simm.s32 $0xB;
	[sflag:s7] =	ssyncadd.s32 $0xFFFFCE00  }
0x19: {  	_ =	swait.ge [sflag:s9], $0x3200  }
0x1a: {  	[sflag:s9] =	ssyncset.done $0x0  }
0x1b: {  	[sflag:s9] =	ssyncadd.s32 $0xFFFFCE00  }
0x1c: {  	_ =	swait.ge [sflag:s5], $0x3200  }
0x1d: {  	[sflag:s5] =	ssyncset.done $0x0  }
0x1e: {  	s13 =	simm.s32 $0xD;
	[sflag:s5] =	ssyncadd.s32 $0xFFFFCE00  }
0x1f: {  	_ =	swait.ge [sflag:s13], $0x3200  }
0x20: {  	[sflag:s13] =	ssyncset.done $0x0  }
0x21: {  	s20 =	simm.s32 $0xE;
	[sflag:s13] =	ssyncadd.s32 $0xFFFFCE00  }
0x22: {  	_ =	swait.ge [sflag:s20], $0x3200  }
0x23: {  	[sflag:s20] =	ssyncset.done $0x0  }
0x24: {  	s22 =	simm.s32 $0xF;
	[sflag:s20] =	ssyncadd.s32 $0xFFFFCE00  }
0x25: {  	_ =	swait.ge [sflag:s22], $0x3200  }
0x26: {  	[sflag:s22] =	ssyncset.done $0x0  }
0x27: {  	s6 =	simm.s32 $0x10;
	[sflag:s22] =	ssyncadd.s32 $0xFFFFCE00  }
0x28: {  	_ =	swait.ge [sflag:s6], $0x3200  }
0x29: {  	s7 =	rddreg [dreg:$0x6]  }
0x2a: {  	s23 =	rddreg [dreg:$0x4];
	s7 =	sadd.s32 $0x1, s7  }
0x2b: {  	p0 =	sne.s32 s7, s23  }
.Ltmp1:
0x2c: {  	_ = 	snop;
	(pc) =	sbr.rel @!p0 .LBB2_5-.Ltmp1, $3  }
0x2d: {  	_ =	sdelay $0x1  }
0x2e: {  	[sflag:s6] =	ssyncset.done $0x0  }
0x2f: {  	[sflag:s6] =	ssyncadd.s32 $0xFFFFCE00  }
.LBB2_1:
0x30: {  	[dreg:$0x6] =	wrdreg s7  }
0x31: {  	s4 =	rddreg [dreg:$0x3];
	s7 =	simm.s32 $0x11  }
0x32: {  	[tilespmem:s2], [sflag:$0x11] =	stream.linear.gather [hbm4b:s4+s2], $0x6400, $0x38;
	[tilespmem:$0x1F400] =	vst v63  }
0x33: {  	_ =	swait.ge [sflag:s7], $0x6400  }
0x34: {  	[sflag:s7] =	ssyncset.done $0x0  }
0x35: {  	s9 =	simm.s32 $0x6400;
	[sflag:s7] =	ssyncadd.s32 $0xFFFF9C00  }
0x36: {  	[tilespmem:s9], [sflag:$0x1] =	stream.indirect.gather [hbm4b:s3+s8], $0x40, s2, s8, $0xb8;
	[tilespmem:$0x1F400] =	vst v63  }
0x37: {  	s13 =	simm.s32 $0x8400  }
0x38: {  	[tilespmem:s13], [sflag:$0x1] =	stream.indirect.gather [hbm4b:s3+s10], $0x40, s8, s10, $0xb8;
	[tilespmem:$0x1F400] =	vst v63  }
0x39: {  	s20 =	simm.s32 $0xC8;
	s6 =	simm.s32 $0x9600  }
0x3a: {  	[tilespmem:s6], [sflag:$0x2] =	stream.indirect.gather [hbm4b:s3+s8], $0x40, s20, s8, $0xb8;
	[tilespmem:$0x1F400] =	vst v63  }
0x3b: {  	s22 =	simm.s32 $0x148;
	s23 =	simm.s32 $0xB600  }
0x3c: {  	[tilespmem:s23], [sflag:$0x2] =	stream.indirect.gather [hbm4b:s3+s10], $0x40, s22, s10, $0xb8;
	[tilespmem:$0x1F400] =	vst v63  }
0x3d: {  	s7 =	simm.s32 $0x190  }
0x3e: {  	[tilespmem:s17], [sflag:$0x3] =	stream.indirect.gather [hbm4b:s3+s8], $0x40, s7, s8, $0xb8;
	[tilespmem:$0x1F400] =	vst v63  }
0x3f: {  	s9 =	simm.s32 $0x210;
	s13 =	simm.s32 $0xE800  }
0x40: {  	[tilespmem:s13], [sflag:$0x3] =	stream.indirect.gather [hbm4b:s3+s10], $0x40, s9, s10, $0xb8;
	[tilespmem:$0x1F400] =	vst v63  }
0x41: {  	s20 =	simm.s32 $0x258;
	s6 =	rddreg [dreg:$0x5]  }
0x42: {  	[tilespmem:s21], [sflag:$0x4] =	stream.indirect.gather [hbm4b:s3+s8], $0x40, s20, s8, $0xb8;
	[tilespmem:$0x1F400] =	vst v63  }
0x43: {  	s22 =	simm.s32 $0x2D8;
	s23 =	simm.s32 $0x11A00;
	s7 =	simm.s32 $0x0  }
0x44: {  	[tilespmem:s23], [sflag:$0x4] =	stream.indirect.gather [hbm4b:s3+s10], $0x40, s22, s10, $0xb8;
	[tilespmem:$0x1F400] =	vst v63  }
.LBB2_2:
0x45: {  	_ =	swait.ge [sflag:s24], $0x2000  }
0x46: {  	[sflag:s24] =	ssyncset.done $0x0  }
0x47: {  	[sflag:s24] =	ssyncadd.s32 $0xFFFFE000  }
0x48: {  	_ =	swait.ge [sflag:s24], $0x1200  }
0x49: {  	p0 =	seq.s32 s7, $0x0;
	[sflag:s24] =	ssyncset.done $0x0  }
0x4a: {  	s4 =	simm.s32 $0x6400;
	s22 =	simm.s32 @!p0 $0xD;
	[sflag:s24] =	ssyncadd.s32 $0xFFFFEE00  }
0x4b: {  	[hbm4b:s6+s2] =	stream.linear.scatter [tilespmem:s4], [sflag:$0x9], $0x3200, $0x38;
	[tilespmem:$0x1F400] =	vst v63  }
0x4c: {  	_ =	swait.ge @!p0 [sflag:s22], $0x3200  }
0x4d: {  	s20 =	sshra.s32 s7, $0x2;
	[sflag:s22] =	ssyncset.done @!p0 $0x0  }
0x4e: {  	s13 =	sadd.s32 $0x320, s20;
	[sflag:s22] =	ssyncadd.s32 @!p0 $0xFFFFCE00  }
0x4f: {  	[tilespmem:s25], [sflag:$0x5] =	stream.indirect.gather [hbm4b:s3+s8], $0x40, s13, s8, $0xb8;
	[tilespmem:$0x1F400] =	vst v63  }
0x50: {  	s23 =	sadd.s32 $0x3A0, s20  }
0x51: {  	[tilespmem:s26], [sflag:$0x5] =	stream.indirect.gather [hbm4b:s3+s10], $0x40, s23, s10, $0xb8;
	[tilespmem:$0x1F400] =	vst v63  }
0x52: {  	_ =	swait.ge [sflag:s28], $0x2000  }
0x53: {  	[sflag:s28] =	ssyncset.done $0x0  }
0x54: {  	[sflag:s28] =	ssyncadd.s32 $0xFFFFE000  }
0x55: {  	_ =	swait.ge [sflag:s28], $0x1200  }
0x56: {  	s9 =	simm.s32 $0x9600;
	[sflag:s28] =	ssyncset.done $0x0  }
0x57: {  	s4 =	sadd.s32 $0x640, s6;
	s22 =	simm.s32 @!p0 $0xE;
	[sflag:s28] =	ssyncadd.s32 $0xFFFFEE00  }
0x58: {  	[hbm4b:s4+s2] =	stream.linear.scatter [tilespmem:s9], [sflag:$0xA], $0x3200, $0x38;
	[tilespmem:$0x1F400] =	vst v63  }
0x59: {  	_ =	swait.ge @!p0 [sflag:s22], $0x3200  }
0x5a: {  	[sflag:s22] =	ssyncset.done @!p0 $0x0  }
0x5b: {  	s13 =	sadd.s32 $0x3E8, s20;
	[sflag:s22] =	ssyncadd.s32 @!p0 $0xFFFFCE00  }
0x5c: {  	[tilespmem:s29], [sflag:$0x6] =	stream.indirect.gather [hbm4b:s3+s8], $0x40, s13, s8, $0xb8;
	[tilespmem:$0x1F400] =	vst v63  }
0x5d: {  	s23 =	sadd.s32 $0x468, s20  }
0x5e: {  	[tilespmem:s30], [sflag:$0x6] =	stream.indirect.gather [hbm4b:s3+s10], $0x40, s23, s10, $0xb8;
	[tilespmem:$0x1F400] =	vst v63  }
0x5f: {  	_ =	swait.ge [sflag:s31], $0x2000  }
0x60: {  	[sflag:s31] =	ssyncset.done $0x0  }
0x61: {  	[sflag:s31] =	ssyncadd.s32 $0xFFFFE000  }
0x62: {  	_ =	swait.ge [sflag:s31], $0x1200  }
0x63: {  	[sflag:s31] =	ssyncset.done $0x0  }
0x64: {  	s4 =	sadd.s32 $0xC80, s6;
	s22 =	simm.s32 @!p0 $0xF;
	[sflag:s31] =	ssyncadd.s32 $0xFFFFEE00  }
0x65: {  	[hbm4b:s4+s2] =	stream.linear.scatter [tilespmem:s17], [sflag:$0xB], $0x3200, $0x38;
	[tilespmem:$0x1F400] =	vst v63  }
0x66: {  	_ =	swait.ge @!p0 [sflag:s22], $0x3200  }
0x67: {  	[sflag:s22] =	ssyncset.done @!p0 $0x0  }
0x68: {  	s9 =	sadd.s32 $0x4B0, s20;
	[sflag:s22] =	ssyncadd.s32 @!p0 $0xFFFFCE00  }
0x69: {  	[tilespmem:s1], [sflag:$0x7] =	stream.indirect.gather [hbm4b:s3+s8], $0x40, s9, s8, $0xb8;
	[tilespmem:$0x1F400] =	vst v63  }
0x6a: {  	s13 =	sadd.s32 $0x530, s20  }
0x6b: {  	[tilespmem:s0], [sflag:$0x7] =	stream.indirect.gather [hbm4b:s3+s10], $0x40, s13, s10, $0xb8;
	[tilespmem:$0x1F400] =	vst v63  }
0x6c: {  	_ =	swait.ge [sflag:s11], $0x2000  }
0x6d: {  	[sflag:s11] =	ssyncset.done $0x0  }
0x6e: {  	[sflag:s11] =	ssyncadd.s32 $0xFFFFE000  }
0x6f: {  	_ =	swait.ge [sflag:s11], $0x1200  }
0x70: {  	[sflag:s11] =	ssyncset.done $0x0  }
0x71: {  	s23 =	sadd.s32 $0x12C0, s6;
	s22 =	simm.s32 @!p0 $0x10;
	[sflag:s11] =	ssyncadd.s32 $0xFFFFEE00  }
0x72: {  	[hbm4b:s23+s2] =	stream.linear.scatter [tilespmem:s21], [sflag:$0xC], $0x3200, $0x38;
	[tilespmem:$0x1F400] =	vst v63  }
0x73: {  	_ =	swait.ge @!p0 [sflag:s22], $0x3200  }
0x74: {  	[sflag:s22] =	ssyncset.done @!p0 $0x0  }
0x75: {  	s4 =	sadd.s32 $0x578, s20;
	[sflag:s22] =	ssyncadd.s32 @!p0 $0xFFFFCE00  }
0x76: {  	[tilespmem:s12], [sflag:$0x8] =	stream.indirect.gather [hbm4b:s3+s8], $0x40, s4, s8, $0xb8;
	[tilespmem:$0x1F400] =	vst v63  }
0x77: {  	s9 =	sadd.s32 $0x5F8, s20  }
0x78: {  	[tilespmem:s14], [sflag:$0x8] =	stream.indirect.gather [hbm4b:s3+s10], $0x40, s9, s10, $0xb8;
	[tilespmem:$0x1F400] =	vst v63  }
0x79: {  	_ =	swait.ge [sflag:s15], $0x2000  }
0x7a: {  	[sflag:s15] =	ssyncset.done $0x0  }
0x7b: {  	[sflag:s15] =	ssyncadd.s32 $0xFFFFE000  }
0x7c: {  	_ =	swait.ge [sflag:s15], $0x1200  }
0x7d: {  	p0 =	seq.s32 s7, $0x17700;
	[sflag:s15] =	ssyncset.done $0x0  }
0x7e: {  	s13 =	sadd.s32 $0x1900, s6;
	s22 =	simm.s32 @!p0 $0x9;
	[sflag:s15] =	ssyncadd.s32 $0xFFFFEE00  }
0x7f: {  	[hbm4b:s13+s2] =	stream.linear.scatter [tilespmem:s25], [sflag:$0xD], $0x3200, $0x38;
	[tilespmem:$0x1F400] =	vst v63  }
0x80: {  	_ =	swait.ge @!p0 [sflag:s22], $0x3200  }
0x81: {  	[sflag:s22] =	ssyncset.done @!p0 $0x0  }
0x82: {  	[sflag:s22] =	ssyncadd.s32 @!p0 $0xFFFFCE00;
	s22 =	sshra.s32 @!p0 s7, $0x2  }
0x83: {  	s9 =	simm.s32 @!p0 $0x80;
	s13 =	simm.s32 @!p0 $0x6400;
	s4 =	sadd.s32 @!p0 $0x640, s22  }
0x84: {  	[tilespmem:s13], [sflag:$0x1] =	stream.indirect.gather @!p0 [hbm4b:s3+s9], $0x40, s4, s9, $0xb8;
	[tilespmem:$0x1F400] =	vst v63  }
0x85: {  	s23 =	simm.s32 @!p0 $0x8400;
	s4 =	sadd.s32 @!p0 $0x6C0, s22;
	s13 =	simm.s32 @!p0 $0x48  }
0x86: {  	[tilespmem:s23], [sflag:$0x1] =	stream.indirect.gather @!p0 [hbm4b:s3+s13], $0x40, s4, s13, $0xb8;
	[tilespmem:$0x1F400] =	vst v63  }
0x87: {  	_ =	swait.ge [sflag:s16], $0x2000  }
0x88: {  	[sflag:s16] =	ssyncset.done $0x0  }
0x89: {  	[sflag:s16] =	ssyncadd.s32 $0xFFFFE000  }
0x8a: {  	_ =	swait.ge [sflag:s16], $0x1200  }
0x8b: {  	[sflag:s16] =	ssyncset.done $0x0  }
0x8c: {  	s23 =	sadd.s32 $0x1F40, s6;
	s4 =	simm.s32 @!p0 $0xA;
	[sflag:s16] =	ssyncadd.s32 $0xFFFFEE00  }
0x8d: {  	[hbm4b:s23+s2] =	stream.linear.scatter [tilespmem:s29], [sflag:$0xE], $0x3200, $0x38;
	[tilespmem:$0x1F400] =	vst v63  }
0x8e: {  	_ =	swait.ge @!p0 [sflag:s4], $0x3200  }
0x8f: {  	[sflag:s4] =	ssyncset.done @!p0 $0x0  }
0x90: {  	s23 =	simm.s32 @!p0 $0x9600;
	[sflag:s4] =	ssyncadd.s32 @!p0 $0xFFFFCE00;
	s4 =	sadd.s32 @!p0 $0x708, s22  }
0x91: {  	[tilespmem:s23], [sflag:$0x2] =	stream.indirect.gather @!p0 [hbm4b:s3+s9], $0x40, s4, s9, $0xb8;
	[tilespmem:$0x1F400] =	vst v63  }
0x92: {  	s4 =	sadd.s32 @!p0 $0x788, s22;
	s23 =	simm.s32 @!p0 $0xB600  }
0x93: {  	[tilespmem:s23], [sflag:$0x2] =	stream.indirect.gather @!p0 [hbm4b:s3+s13], $0x40, s4, s13, $0xb8;
	[tilespmem:$0x1F400] =	vst v63  }
0x94: {  	_ =	swait.ge [sflag:s18], $0x2000  }
0x95: {  	[sflag:s18] =	ssyncset.done $0x0  }
0x96: {  	[sflag:s18] =	ssyncadd.s32 $0xFFFFE000  }
0x97: {  	_ =	swait.ge [sflag:s18], $0x1200  }
0x98: {  	[sflag:s18] =	ssyncset.done $0x0  }
0x99: {  	s23 =	sadd.s32 $0x2580, s6;
	s4 =	simm.s32 @!p0 $0xB;
	[sflag:s18] =	ssyncadd.s32 $0xFFFFEE00  }
0x9a: {  	[hbm4b:s23+s2] =	stream.linear.scatter [tilespmem:s1], [sflag:$0xF], $0x3200, $0x38;
	[tilespmem:$0x1F400] =	vst v63  }
0x9b: {  	_ =	swait.ge @!p0 [sflag:s4], $0x3200  }
0x9c: {  	[sflag:s4] =	ssyncset.done @!p0 $0x0  }
0x9d: {  	s23 =	simm.s32 @!p0 $0xC800;
	[sflag:s4] =	ssyncadd.s32 @!p0 $0xFFFFCE00;
	s4 =	sadd.s32 @!p0 $0x7D0, s22  }
0x9e: {  	[tilespmem:s23], [sflag:$0x3] =	stream.indirect.gather @!p0 [hbm4b:s3+s9], $0x40, s4, s9, $0xb8;
	[tilespmem:$0x1F400] =	vst v63  }
0x9f: {  	s4 =	sadd.s32 @!p0 $0x850, s22;
	s9 =	simm.s32 @!p0 $0xE800  }
0xa0: {  	[tilespmem:s9], [sflag:$0x3] =	stream.indirect.gather @!p0 [hbm4b:s3+s13], $0x40, s4, s13, $0xb8;
	[tilespmem:$0x1F400] =	vst v63  }
0xa1: {  	_ =	swait.ge [sflag:s19], $0x2000  }
0xa2: {  	[sflag:s19] =	ssyncset.done $0x0  }
.Ltmp2:
0xa3: {  	[sflag:s19] =	ssyncadd.s32 $0xFFFFE000;
	(pc) =	sbr.rel @p0 .LBB2_4-.Ltmp2, $4  }
0xa4: {  	_ =	swait.ge [sflag:s19], $0x1200  }
0xa5: {  	[sflag:s19] =	ssyncset.done $0x0  }
0xa6: {  	s23 =	sadd.s32 $0x2BC0, s6;
	[sflag:s19] =	ssyncadd.s32 $0xFFFFEE00  }
0xa7: {  	[hbm4b:s23+s2] =	stream.linear.scatter [tilespmem:s12], [sflag:$0x10], $0x3200, $0x38;
	[tilespmem:$0x1F400] =	vst v63  }
0xa8: {  	_ =	swait.ge [sflag:s5], $0x3200  }
.Ltmp3:
0xa9: {  	[sflag:s5] =	ssyncset.done $0x0;
	(pc) =	sbr.rel .LBB2_2-.Ltmp3, $4  }
0xaa: {  	s4 =	sadd.s32 $0x898, s20;
	s23 =	sadd.s32 $0x918, s20;
	[sflag:s5] =	ssyncadd.s32 $0xFFFFCE00  }
0xab: {  	[tilespmem:s21], [sflag:$0x4] =	stream.indirect.gather [hbm4b:s3+s8], $0x40, s4, s8, $0xb8;
	[tilespmem:$0x1F400] =	vst v63  }
0xac: {  	s9 =	simm.s32 $0x11A00;
	s7 =	sadd.s32 $0x1900, s7;
	s6 =	sadd.s32 $0x3200, s6  }
0xad: {  	[tilespmem:s9], [sflag:$0x4] =	stream.indirect.gather [hbm4b:s3+s10], $0x40, s23, s10, $0xb8;
	[tilespmem:$0x1F400] =	vst v63  }
.LBB2_5:
0xae: {  	_ =	sfence.sel $0x180000  }
0xaf: {  	[bflag:$0x0] =	sbarrier.arrive $0xFFFF  }
0xb0: {  	_ =	strace $0x90000047  }
0xb1: {  	s0 =	stileid.u32;
	[bflag:$0x2] =	sbarrier.arrive $0xFFFF  }
0xb2: {  	p0 =	sne.s32 s0, $0x0;
	s0 =	rddreg [dreg:$0x2]  }
0xb3: {  	s0 =	sadd.s32 @!p0 $0x100000, s0  }
0xb4: {  	[sflag:s0] =	ssyncadd.tile.s32 @!p0 $0x1;
	_ =	shalt  }
.Lfunc_end2:
_tile_overlayer_lowered:
.L_overlay_start_2:
0xb5: {  	(tag) =	ssettag $0x2  }
0xb6: {  	s0 =	rddreg [dreg:$0x0];
	s2 =	stileid.u32  }
0xb7: {  	s1 =	rddreg [dreg:$0x1];
	p0 =	sne.s32 s2, $0x0  }
0xb8: {  	s3 =	rddreg [dreg:$0x2];
	[bflag:$0x3] =	sbarrier.arrive $0xFFFF;
	s2 =	simm.s32 @!p0 $0x1C11  }
0xb9: {  	[timem:s3], [sflag:s2] =	dma.local @!p0 [hbm:s0], s1  }
0xba: {  	s0 =	simm.s32 @!p0 $0x11  }
0xbb: {  	_ =	swait.ge @!p0 [sflag:s0], s1  }
0xbc: {  	s1 =	ssub.s32 @!p0 $0x0, s1;
	[sflag:s0] =	ssyncset.done @!p0 $0x0  }
0xbd: {  	[sflag:s0] =	ssyncadd.s32 @!p0 s1  }
0xbe: {  	[bflag:$0x3] =	sbarrier.arrive $0xFFFF  }
0xbf: {  	_ =	shalt  }

// kernel: sparse-core-data-format-call.cloned.1.call-start
scs
called_computation_lowered:
.L_overlay_start_0:
0x0: {  	s2 =	sld [smem:$0x3FD9]  }
0x1: {  	s3 =	sld [smem:$0x3FFE];
	_ =	sdelay $0x1  }
0x2: {  	s1 =	srdreg.scid  }
0x3: {  	s0 =	sand.u32 $0x1, s1  }
0x4: {  	s18 =	sshll.u32 s0, $0xA;
	s2 =	sadd.s32 s3, s2  }
0x5: {  	s2 =	sadd.s32 s2, s18  }
0x6: {  	[smem:$0x3FC6] =	sst s2  }
0x7: {  	_ = 	snop  }
0x8: {  	s2 =	sld [smem:$0x3FD0];
	(tm) =	ssettm $0x1  }
0x9: {  	s19 =	sld [smem:$0x3FFB];
	_ =	sdelay $0x3  }
0xa: {  	_ =	strace s19  }
0xb: {  	s3 =	sld [smem:$0x3FFC];
	_ =	sdelay $0x3  }
0xc: {  	_ =	strace s3  }
0xd: {  	s3 =	sld [smem:$0x3FFD];
	_ =	sdelay $0x3  }
0xe: {  	_ =	strace s3  }
0xf: {  	_ =	strace $0x8FFFFFFF  }
0x10: {  	s20 =	sld [smem:$0x3FDB];
	_ =	sdelay $0x1  }
0x11: {  	s4 =	simm.s32 $_scs_section_size  }
0x12: {  	s5 =	simm.s32 $_size__tile_overlayer_lowered;
	s6 =	simm.s32 $_tile_overlayer_lowered  }
0x13: {  	s23 =	simm.s32 $0x1BFF;
	s22 =	sshll.u32 s6, $0x1;
	s3 =	sadd.s32 s4, s20  }
0x14: {  	s7 =	simm.s32 $0x0;
	s21 =	sshll.u32 s5, $0x1;
	s5 =	sadd.s32 s22, s3  }
0x15: {  	[timem:s7], [sflag:s23] =	dma.local [hbm:s5], s21  }
0x16: {  	_ =	swait.ge [sflag:s23], s21  }
0x17: {  	s4 =	ssub.s32 $0x0, s21;
	[sflag:s23] =	ssyncset.done $0x0  }
0x18: {  	[sflag:s23] =	ssyncadd.s32 s4;
	_ =	sdelay $0x1  }
0x19: {  	s24 =	simm.s32 $0x1B8B  }
0x1a: {  	_ =	swait.ge [sflag:s24], $0x1  }
0x1b: {  	[sflag:s24] =	ssyncset.done $0x0  }
0x1c: {  	s26 =	simm.s32 $0x1B8E;
	s25 =	sld [smem:$0x3FFE];
	[sflag:s24] =	ssyncadd.s32 $0xFFFFFFFF  }
0x1d: {  	s27 =	simm.s32 $execute0_lowered;
	[smem:$0x3FD2] =	sst s26  }
0x1e: {  	s5 =	sshll.u32 s27, $0x1;
	_ =	strace $0x80000049;
	[dreg:$0x1] =	wrdreg $0xFFFFFFFF  }
0x1f: {  	s28 =	simm.s32 $_size_execute0_lowered;
	s3 =	sadd.s32 s3, s5;
	[dreg:$0x0] =	wrdreg $0x0  }
0x20: {  	s5 =	sshll.u32 s28, $0x1;
	[dreg:$0x2] =	wrdreg s3  }
0x21: {  	[dreg:$0x3] =	wrdreg s5  }
0x22: {  	[dreg:$0x4] =	wrdreg $0xC0  }
0x23: {  	_ =	task [dreg:s7], $0x5FFFF  }
0x24: {  	[dreg:$0x1] =	wrdreg $0xFFFFFFFF  }
0x25: {  	[dreg:$0x0] =	wrdreg $0x60  }
0x26: {  	[dreg:$0x2] =	wrdreg s25  }
0x27: {  	[dreg:$0x3] =	wrdreg s2  }
0x28: {  	[dreg:$0x4] =	wrdreg $0x9  }
0x29: {  	_ =	task.clear_ibuf [dreg:s7], $0x5FFFF;
	_ =	strace $0x90000049  }
0x2a: {  	s29 =	simm.s32 $0x9;
	_ =	strace $0x8000004B  }
0x2b: {  	_ =	swait.ge [sflag:s29], $0x1  }
0x2c: {  	[sflag:s29] =	ssyncadd.s32 $0xFFFFFFFF  }
0x2d: {  	_ =	strace $0x9000004B  }
0x2e: {  	_ =	sfence  }
0x2f: {  	s30 =	sld [smem:$0x0];
	_ =	sdelay $0x2  }
0x30: {  	s31 =	sshll.u32 s1, $0xD;
	s1 =	sshrl.u32 s1, $0x2  }
0x31: {  	s3 =	sand.u32 $0x4000, s31;
	s1 =	sadd.s32 s1, s30  }
0x32: {  	s0 =	sor.u32 s3, s0;
	s1 =	sshll.u32 s1, $0x11  }
0x33: {  	s0 =	sor.u32 s1, s0  }
0x34: {  	s0 =	sadd.s32 $0x8F2B, s0  }
0x35: {  	[sflag:s0] =	ssyncadd.remote.s32 $0x1  }
0x36: {  	_ =	sfence.sel $0xFFFF  }
0x37: {  	[dreg:$0x0] =	wrdreg $0xFFFFFFFF;
	(pc) =	sbr.abs _section_cstart, $3  }
0x38: {  	[dreg:$0x1] =	wrdreg $0xFFFFFFFF  }
0x39: {  	_ =	task.clear_ibuf [dreg:s7], $0x2FFFF;
	_ =	strace $0x9FFFFFFF  }
0x3a: {  	(tm) =	ssettm $0x7FFFFFFF  }
0x3b: {  	_ =	shalt  }
tec
execute0_lowered:
.L_overlay_start_1:
0x0: {  	(tag) =	ssettag $0x1  }
0x1: {  	s0 =	srdreg.scid  }
0x2: {  	s1 =	sshll.u32 s0, $0x4  }
0x3: {  	s0 =	stileid.u32;
	s1 =	sand.u32 $0x10, s1  }
0x4: {  	s1 =	sor.u32 s0, s1  }
0x5: {  	s6 =	rddreg [dreg:$0x0];
	s4 =	simm.s32 $0x1;
	s2 =	sshll.u32 s1, $0x7  }
0x6: {  	s7 =	simm.s32 $0x2;
	s12 =	simm.s32 $0x0;
	s1 =	ssub.s32 $0x1000, s2  }
0x7: {  	s8 =	simm.s32 $0x8000;
	s13 =	simm.s32 $0x0;
	s3 =	sand.u32 $0xF80, s1  }
0x8: {  	s9 =	simm.s32 $0x0;
	s5 =	sshrl.u32 s1, $0xC;
	p0 =	sne.s32 s3, $0x0  }
.Ltmp0:
0x9: {  	s1 =	rddreg [dreg:$0x2];
	s4 =	simm.s32 @!p0 $0x0;
	(pc) =	sbr.rel .LBB1_1-.Ltmp0, $4  }
0xa: {  	s11 =	simm.s32 $0x0;
	s3 =	rddreg [dreg:$0x1];
	s5 =	sadd.s32 s4, s5  }
0xb: {  	_ =	strace $0x8000004A;
	s4 =	simm.s32 $0x1;
	s5 =	smul.u32 $0xC8, s5  }
0xc: {  	s6 =	sadd.s32 $0x800, s6;
	s10 =	smov.u32 s2;
	[sflag:s4] =	ssyncpa.u1 $0x0  }
0xd: {  	p0 =	por $0x0, $0x0;
	[sflag:s7] =	ssyncpa.u1 $0x0;
	s7 =	sor.u32 $0x1, s5  }
.LBB1_4:
0xe: {  	s16 =	sshll.u32 s13, $0x3;
	s17 =	sand.u32 $0x78, s13  }
0xf: {  	s30 =	sand.u32 $0x7E00, s13;
	s12 =	sshll.u32 s12, $0xF;
	s16 =	sand.u32 $0xC00, s16  }
0x10: {  	[tilespmem:s15+$0x810 ss:$0x81] =	vst.msk $0xffff, v2;
	s31 =	sand.u32 $0x7, s13;
	s16 =	sor.u32 s17, s16;
	s17 =	sadd.s32 s3, s30  }
0x11: {  	[tilespmem:s15+$0x1020 ss:$0x81] =	vst.msk $0xffff, v0;
	s13 =	sshll.u32 s31, $0x12;
	s12 =	sadd.s32 s12, s17;
	s16 =	sshrl.u32 s16, $0x3  }
0x12: {  	[tilespmem:s15+$0x0 ss:$0x81] =	vst.msk $0xffff, v1;
	s13 =	sor.u32 $0x400, s13;
	s12 =	sadd.s32 s16, s12  }
0x13: {  	[hbm4b:s12+s13] =	stream.strided.scatter [tilespmem:s14], [sflag:$0x2], $0x2000, s8, s13, $0x20;
	[tilespmem:$0x8080] =	vst v63  }
.LBB1_5:
0x14: {  	s14 =	sadd.s32 $0x1, s9  }
0x15: {  	s12 =	sadd.s32 $0x1000, s10;
	s16 =	smov.u32 s10;
	p2 =	sgt.s32 s14, $0xC7  }
0x16: {  	s16 =	smov.u32 @p2 s12  }
0x17: {  	s14 =	simm.s32 @p2 $0x0;
	p2 =	sgt.s32 s16, $0xFFF  }
0x18: {  	s16 =	smov.u32 @p2 s2;
	p2 =	sne.s32 s11, s7  }
.Ltmp1:
0x19: {  	p1 =	slt.u32 s11, $0x2;
	(pc) =	sbr.rel @!p2 .LBB1_6-.Ltmp1, $4  }
0x1a: {  	s15 =	simm.s32 @!p1 $0x2  }
0x1b: {  	s13 =	smov.u32 s10;
	p0 =	por !p0, !p0;
	_ =	swait.ge @!p1 [sflag:s15], $0x2000  }
0x1c: {  	s12 =	smov.u32 s9;
	[sflag:s15] =	ssyncset.done @!p1 $0x0;
	s9 =	smov.u32 s14  }
0x1d: {  	s11 =	sadd.s32 $0x1, s11;
	[sflag:s15] =	ssyncadd.s32 @!p1 $0xFFFFE000;
	s10 =	smov.u32 s16  }
.LBB1_1:
0x1e: {  	p1 =	sge.u32 s11, s5  }
0x1f: {  	s14 =	sand.u32 @!p1 $0x1FFFFFF, s9  }
0x20: {  	s15 =	smulhi.u32 @!p1 $0x147AE15, s14;
	_ =	sdelay $0x1  }
0x21: {  	s15 =	smul.u32 @!p1 $0xC8, s15  }
0x22: {  	s16 =	sxor.u32 @!p1 $0xFFFFFFFF, s11;
	s17 =	smul.u32 @!p1 $0xC80, s10  }
0x23: {  	s31 =	sadd.s32 $0xFFFFFFFF, s11;
	s16 =	sshll.u32 @!p1 s16, $0xD;
	s14 =	ssub.s32 @!p1 s14, s15  }
0x24: {  	s15 =	sand.u32 @!p1 $0x2000, s16;
	s16 =	sadd.s32 @!p1 s6, s17;
	s14 =	sshll.u32 @!p1 s14, $0x4  }
0x25: {  	s17 =	simm.s32 @!p1 $0x6400;
	s14 =	sadd.s32 @!p1 s14, s16;
	s16 =	simm.s32 @!p1 $0x40  }
0x26: {  	[tilespmem:s15], [sflag:$0x1] =	stream.strided.gather @!p1 [hbm4b:s14+s16], $0x2000, s17, s16, $0x38;
	[tilespmem:$0x8080] =	vst v63  }
0x27: {  	p1 =	sge.u32 s31, s5  }
.Ltmp2:
0x28: {  	_ = 	snop;
	(pc) =	sbr.rel @p1 .LBB1_5-.Ltmp2, $1  }
0x29: {  	_ =	sdelay $0x3  }
0x2a: {  	s14 =	simm.s32 $0x1  }
0x2b: {  	_ =	swait.ge [sflag:s4], $0x2000;
	s14 =	simm.s32 @!p0 $0x0  }
0x2c: {  	[sflag:s4] =	ssyncset.done $0x0;
	s15 =	sshll.u32 s14, $0xD  }
0x2d: {  	[sflag:s4] =	ssyncadd.s32 $0xFFFFE000;
	s18 =	sor.u32 $0x20, s15  }
0x2e: {  	s14 =	smul.u32 $0x8100, s14;
	v3 =	vld [tilespmem:s18+$0x10]  }
0x2f: {  	s30 =	sand.u32 $0x1, s11;
	v2 =	vld [tilespmem:s18+$0xFFFFFFF0]  }
0x30: {  	s15 =	smul.u32 $0x8100, s30;
	s14 =	sshrl.u32 s14, $0x2;
	v0 =	vld [tilespmem:s18+$0x0]  }
0x31: {  	v1 =	vld [tilespmem:s18+$0xFFFFFFE0];
	s16 =	sor.u32 $0x4000, s14  }
0x32: {  	s31 =	sshrl.u32 s15, $0x2;
	s15 =	sadd.s32 $0x0, s16  }
0x33: {  	s17 =	simm.s32 $0x4;
	s18 =	sadd.s32 $0x40, s18;
	s14 =	sor.u32 $0x4000, s31;
	[tilespmem:s15+$0x1830 ss:$0x81] =	vst.msk $0xffff, v3  }
.LBB1_3:
0x34: {  	v3 =	vld [tilespmem:s18+$0x10];
	p1 =	sne.s32 s17, $0x1FC;
	[tilespmem:s15+$0x810 ss:$0x81] =	vst.msk $0xffff, v2;
	s19 =	smov.u32 s17;
	s17 =	sadd.s32 $0x4, s17  }
.Ltmp3:
0x35: {  	v2 =	vld [tilespmem:s18+$0xFFFFFFF0];
	[tilespmem:s15+$0x1020 ss:$0x81] =	vst.msk $0xffff, v0;
	(pc) =	sbr.rel @p1 .LBB1_3-.Ltmp3, $4  }
0x36: {  	v0 =	vld [tilespmem:s18+$0x0];
	[tilespmem:s15+$0x0 ss:$0x81] =	vst.msk $0xffff, v1  }
0x37: {  	s15 =	sshra.s32 s19, $0x2;
	v1 =	vld [tilespmem:s18+$0xFFFFFFE0]  }
0x38: {  	s15 =	sadd.s32 s15, s16  }
0x39: {  	s18 =	sadd.s32 $0x40, s18;
	[tilespmem:s15+$0x1830 ss:$0x81] =	vst.msk $0xffff, v3  }
.Ltmp4:
0x3a: {  	_ = 	snop;
	(pc) =	sbr.rel .LBB1_4-.Ltmp4, $1  }
0x3b: {  	_ =	sdelay $0x3  }
.LBB1_6:
0x3c: {  	_ =	sfence.sel $0x180000  }
0x3d: {  	s2 =	simm.s32 $0x1;
	[bflag:$0x0] =	sbarrier.arrive $0xFFFF  }
0x3e: {  	s31 =	simm.s32 $0x2;
	[sflag:s2] =	ssyncpa.u1 $0x1  }
0x3f: {  	[sflag:s31] =	ssyncpa.u1 $0x1  }
0x40: {  	p0 =	sne.s32 s0, $0x0;
	_ =	strace $0x9000004A  }
0x41: {  	s0 =	sadd.s32 @!p0 $0x100000, s1;
	[bflag:$0x2] =	sbarrier.arrive $0xFFFF  }
0x42: {  	[sflag:s0] =	ssyncadd.tile.s32 @!p0 $0x1;
	_ =	shalt  }
.Lfunc_end1:
_tile_overlayer_lowered:
.L_overlay_start_2:
0x43: {  	(tag) =	ssettag $0x2  }
0x44: {  	s0 =	rddreg [dreg:$0x0];
	s2 =	stileid.u32  }
0x45: {  	s1 =	rddreg [dreg:$0x1];
	p0 =	sne.s32 s2, $0x0  }
0x46: {  	s3 =	rddreg [dreg:$0x2];
	[bflag:$0x3] =	sbarrier.arrive $0xFFFF;
	s2 =	simm.s32 @!p0 $0x1C01  }
0x47: {  	[timem:s3], [sflag:s2] =	dma.local @!p0 [hbm:s0], s1  }
0x48: {  	s0 =	simm.s32 @!p0 $0x1  }
0x49: {  	_ =	swait.ge @!p0 [sflag:s0], s1  }
0x4a: {  	s1 =	ssub.s32 @!p0 $0x0, s1;
	[sflag:s0] =	ssyncset.done @!p0 $0x0  }
0x4b: {  	[sflag:s0] =	ssyncadd.s32 @!p0 s1  }
0x4c: {  	[bflag:$0x3] =	sbarrier.arrive $0xFFFF  }
0x4d: {  	_ =	shalt  }

</sc_bundles>
